<compile_context>
chip_gen: v7x
topology: tpu7x:2x2x1
jax: 0.10.2.dev20260603
libtpu: 0.0.44.dev20260713+nightly
codegen_flags: <defaults>
</compile_context>

<pallas_src>
import functools

import jax
import jax.numpy as jnp
from jax import lax
from jax.experimental import pallas as pl
from jax.experimental.pallas import tpu as pltpu
from jax.experimental.pallas import tpu_sc as plsc

SHIFT = 15
OFF = (95 << 23) >> SHIFT
ROWS = 72
NK = ROWS * 128
TINY = 2.0 ** -32
NWORK = 32


def _lut_build_body(alpha_ref, pos_ref, lo_ref):
    cid = (lax.broadcasted_iota(jnp.int32, (ROWS, 128), 0) * 128
           + lax.broadcasted_iota(jnp.int32, (ROWS, 128), 1))
    blo = (cid + OFF) << SHIFT
    vlo = lax.bitcast_convert_type(blo, jnp.float32)
    n_mids = pos_ref.shape[0] - 1

    def body(j, alo):
        p0 = pos_ref[j]
        p1 = pos_ref[j + 1]
        m = (p0 + p1) * 0.5
        d = p1 - p0
        return alo + jnp.where(vlo > m, d, 0.0)

    z = jnp.zeros((ROWS, 128), jnp.float32)
    alo = lax.fori_loop(0, n_mids, body, z)
    a = jnp.abs(alpha_ref[0]) + 1e-8
    lo_ref[...] = alo * a


def _build_luts(alpha, pos):
    return pl.pallas_call(
        _lut_build_body,
        out_shape=jax.ShapeDtypeStruct((ROWS, 128), jnp.float32),
        in_specs=[pl.BlockSpec(memory_space=pltpu.SMEM),
                  pl.BlockSpec(memory_space=pltpu.SMEM)],
    )(alpha, pos)


CHUNK = 16384


@functools.cache
def _make_sc_quantize(n):
    per = n // NWORK
    n_chunks = per // CHUNK
    mesh = plsc.VectorSubcoreMesh(core_axis_name="c", subcore_axis_name="s")

    @functools.partial(
        pl.kernel,
        mesh=mesh,
        compiler_params=pltpu.CompilerParams(needs_layout_passes=False),
        out_type=jax.ShapeDtypeStruct((n,), jnp.float32),
        scratch_types=[
            pltpu.VMEM((NK,), jnp.float32),
            pltpu.VMEM((16,), jnp.float32),
            pltpu.VMEM((2, CHUNK), jnp.float32),
            pltpu.VMEM((2, CHUNK), jnp.float32),
            pltpu.SemaphoreType.DMA,
            pltpu.SemaphoreType.DMA,
            pltpu.SemaphoreType.DMA,
            pltpu.SemaphoreType.DMA,
        ],
    )
    def quantize(x_hbm, a16_hbm, lo_hbm, out_hbm,
                 lo_v, a_v, in_v, out_v,
                 ld_sem0, ld_sem1, st_sem0, st_sem1):
        wid = lax.axis_index("c") * 16 + lax.axis_index("s")
        pltpu.sync_copy(lo_hbm, lo_v)
        pltpu.sync_copy(a16_hbm, a_v)
        av = a_v[...]
        inv = 1.0 / (jnp.abs(av) + 1e-8)
        base0 = wid * per
        ld_sems = (ld_sem0, ld_sem1)
        st_sems = (st_sem0, st_sem1)

        def blk(hbm, g):
            return hbm.at[pl.ds(base0 + g * CHUNK, CHUNK)]

        def start_load(g, b):
            pltpu.async_copy(blk(x_hbm, g), in_v.at[b], ld_sems[b])

        def compute(b):
            @plsc.parallel_loop(0, CHUNK // 16, unroll=8)
            def _(i):
                sl = pl.ds(i * 16, 16)
                xv = in_v[b, sl]
                bi = plsc.bitcast(xv, jnp.int32)
                sign = lax.bitwise_and(bi, jnp.int32(-2147483648))
                ab = lax.bitwise_and(bi, jnp.int32(2147483647))
                w = plsc.bitcast(ab, jnp.float32)
                t = jnp.maximum(w * inv, TINY)
                key = (lax.shift_right_logical(
                    plsc.bitcast(t, jnp.int32), SHIFT) - OFF)
                g0 = plsc.load_gather(lo_v, [key])
                g1 = plsc.load_gather(lo_v, [key + 1])
                sel = jnp.where(w + w > g0 + g1, g1, g0)
                ob = lax.bitwise_or(plsc.bitcast(sel, jnp.int32), sign)
                out_v[b, sl] = plsc.bitcast(ob, jnp.float32)

        def start_store(g, b):
            pltpu.async_copy(out_v.at[b], blk(out_hbm, g), st_sems[b])

        def wait_load(g, b):
            pltpu.make_async_copy(blk(x_hbm, g), in_v.at[b], ld_sems[b]).wait()

        def wait_store(g, b):
            pltpu.make_async_copy(out_v.at[b], blk(out_hbm, g),
                                  st_sems[b]).wait()

        start_load(0, 0)

        @pl.loop(0, n_chunks, step=2)
        def _(g):
            for b in range(2):
                gg = g + b
                nb = 1 - b

                @pl.when(gg + 1 < n_chunks)
                def _():
                    start_load(gg + 1, nb)

                wait_load(gg, b)

                @pl.when(gg >= 2)
                def _():
                    wait_store(gg - 2, b)

                compute(b)
                start_store(gg, b)

        for b in range(2):
            wait_store(n_chunks - 2 + b, b)

    return quantize


def kernel(x, alpha, levels):
    L = levels.shape[0]
    pos = levels[(L - 1) // 2:]
    alpha = alpha.astype(jnp.float32)
    lo = _build_luts(alpha, pos.astype(jnp.float32))
    a16 = jnp.broadcast_to(alpha, (16,))
    nrows, ncols = x.shape
    n = x.size
    assert nrows % 8 == 0 and ncols % 128 == 0
    assert n % (NWORK * CHUNK) == 0
    tr, tc = nrows // 8, ncols // 128
    xp = x.reshape(tr, 8, tc, 128).transpose(0, 2, 1, 3).reshape(n)
    out = _make_sc_quantize(n)(xp, a16, lo.reshape(NK))
    return (out.reshape(tr, tc, 8, 128).transpose(0, 2, 1, 3)
            .reshape(nrows, ncols))

# --- scband reference (transcript-rebuilt; emitter-appended) ---
"""Pipeline reference for scband-apo-tquantizer-3865470566880 (READ-ONLY COPY).

The authoritative reference and input builder live on the scoring server;
editing this copy changes nothing except your own understanding.
"""

import jax, jax.numpy as jnp
import numpy as np
from itertools import product


def _build_apot_levels(num_bits=8, n=2):
    k = num_bits // n
    groups = []
    for i in range(n):
        vals = [0.0]
        for j in range(2 ** k - 1):
            vals.append(2 ** (-(i + j * n)))
        groups.append(vals)
    levels = set()
    for combo in product(*groups):
        levels.add(round(sum(combo), 14))
    levels = sorted(levels)
    max_v = max(levels) if levels else 1.0
    if max_v > 0:
        levels = [v / max_v for v in levels]
    return levels


def setup_inputs(seed: int = 0) -> dict:
    key = jax.random.key(seed)
    x = jax.random.normal(key, (8192, 4096), dtype=jnp.float32)
    # signed=True: mirror positive levels
    pos = _build_apot_levels(num_bits=8, n=2)
    neg = [-v for v in pos[1:]][::-1]
    levels = jnp.array(neg + pos, dtype=jnp.float32)
    # Module is in training mode with initialized=False, so init_alpha runs:
    # alpha = clamp(max(|x|), min=0.001)
    alpha = jnp.maximum(jnp.max(jnp.abs(x)), 0.001).reshape(1).astype(jnp.float32)
    return {"x": x, "alpha": alpha, "levels": levels}


def reference(x, alpha, levels):
    a = jnp.abs(alpha) + 1e-08
    x_norm = x / a
    x_norm = jnp.clip(x_norm, -1.0, 1.0)  # signed=True
    L = levels.shape[0]
    x_det = jax.lax.stop_gradient(x_norm)
    # torch.bucketize(right=False) == searchsorted side='left'
    idx_right = jnp.searchsorted(levels, x_det, side='left')
    idx_right = jnp.clip(idx_right, None, L - 1)
    idx_left = jnp.clip(idx_right - 1, 0, None)
    right = jnp.take(levels, idx_right)
    left = jnp.take(levels, idx_left)
    choose_right = jnp.abs(x_det - left) > jnp.abs(right - x_det)
    snapped = jnp.where(choose_right, right, left)
    snapped_ste = x_norm + jax.lax.stop_gradient(snapped - x_norm)
    return a * snapped_ste

if __name__ == "__main__":
    import jax
    _d = setup_inputs()
    print(jax.jit(kernel)(*tuple(_d.values())))

</pallas_src>

<mosaic_0001>
#map = affine_map<(d0, d1) -> (0)>
module attributes {stable_mosaic.version = 14 : i64} {
  func.func @quantize(%arg0: i32, %arg1: i32, %arg2: memref<33554432xf32, #tpu.memory_space<hbm>>, %arg3: memref<16xf32, #tpu.memory_space<hbm>>, %arg4: memref<9216xf32, #tpu.memory_space<hbm>>, %arg5: memref<33554432xf32, #tpu.memory_space<hbm>>, %arg6: memref<9216xf32, #tpu.memory_space<vmem>>, %arg7: memref<16xf32, #tpu.memory_space<vmem>>, %arg8: memref<2x16384xf32, #tpu.memory_space<vmem>>, %arg9: memref<2x16384xf32, #tpu.memory_space<vmem>>, %arg10: memref<!tpu.dma_semaphore, #tpu.memory_space<semaphore_mem>>, %arg11: memref<!tpu.dma_semaphore, #tpu.memory_space<semaphore_mem>>, %arg12: memref<!tpu.dma_semaphore, #tpu.memory_space<semaphore_mem>>, %arg13: memref<!tpu.dma_semaphore, #tpu.memory_space<semaphore_mem>>) attributes {dimension_semantics = [#tpu.dimension_semantics<core_parallel>, #tpu.dimension_semantics<subcore_parallel>], iteration_bounds = array<i64: 2, 16>, scalar_prefetch = 0 : i64, scratch_operands = 8 : i64, tpu.core_type = #tpu.core_type<sc_vector_subcore>, window_params = [{transform_indices = #map}, {transform_indices = #map}, {transform_indices = #map}, {transform_indices = #map}]} {
    %mul3A = arith.constant 16 : i32
    %mul3A_0 = arith.muli %arg0, %mul3A : i32
    %add3A = arith.addi %mul3A_0, %arg1 : i32
    "tpu.region"() ({
      %run_scoped3A = tpu.sem_alloc : memref<!tpu.dma_semaphore, #tpu.memory_space<semaphore_mem>>
      tpu.enqueue_dma source(%arg4 : memref<9216xf32, #tpu.memory_space<hbm>>) target(%arg6 : memref<9216xf32, #tpu.memory_space<vmem>>) target_semaphore(%run_scoped3A : memref<!tpu.dma_semaphore, #tpu.memory_space<semaphore_mem>>)
      tpu.wait_dma2 semaphore(%run_scoped3A : memref<!tpu.dma_semaphore, #tpu.memory_space<semaphore_mem>>) src(%arg4 : memref<9216xf32, #tpu.memory_space<hbm>>) dst(%arg6 : memref<9216xf32, #tpu.memory_space<vmem>>)
      tpu.yield
    }) : () -> ()
    "tpu.region"() ({
      %run_scoped3A = tpu.sem_alloc : memref<!tpu.dma_semaphore, #tpu.memory_space<semaphore_mem>>
      tpu.enqueue_dma source(%arg3 : memref<16xf32, #tpu.memory_space<hbm>>) target(%arg7 : memref<16xf32, #tpu.memory_space<vmem>>) target_semaphore(%run_scoped3A : memref<!tpu.dma_semaphore, #tpu.memory_space<semaphore_mem>>)
      tpu.wait_dma2 semaphore(%run_scoped3A : memref<!tpu.dma_semaphore, #tpu.memory_space<semaphore_mem>>) src(%arg3 : memref<16xf32, #tpu.memory_space<hbm>>) dst(%arg7 : memref<16xf32, #tpu.memory_space<vmem>>)
      tpu.yield
    }) : () -> ()
    %get3A = arith.constant 0 : index
    %get3A_1 = tpu.vector_load %arg7[%get3A] {strides = array<i32>} : memref<16xf32, #tpu.memory_space<vmem>>, vector<16xf32>,
    %abs3A = math.absf %get3A_1 : vector<16xf32>
    %add3A_2 = arith.constant 9.99999993E-9 : f32
    %add3A_3 = vector.broadcast %add3A_2 : f32 to vector<16xf32>
    %add3A_4 = arith.addf %abs3A, %add3A_3 : vector<16xf32>
    %div3A = arith.constant 1.000000e+00 : f32
    %div3A_5 = vector.broadcast %div3A : f32 to vector<16xf32>
    %div3A_6 = arith.divf %div3A_5, %add3A_4 : vector<16xf32>
    %mul3A_7 = arith.constant 1048576 : i32
    %mul3A_8 = arith.muli %add3A, %mul3A_7 : i32
    %add3A_9 = arith.constant 0 : i32
    %add3A_10 = arith.addi %mul3A_8, %add3A_9 : i32
    %dma_start3A = arith.constant 0 : i32
    %dma_start3A_11 = arith.constant 0 : i32
    %dma_start3A_12 = tpu.memref_slice %arg8[%dma_start3A, %dma_start3A_11] : memref<2x16384xf32, #tpu.memory_space<vmem>> -> memref<1x16384xf32, #tpu.memory_space<vmem>>
    %dma_start3A_13 = tpu.memref_squeeze %dma_start3A_12 : memref<1x16384xf32, #tpu.memory_space<vmem>> -> memref<16384xf32, #tpu.memory_space<vmem>>
    %dma_start3A_14 = tpu.memref_slice %arg2[%add3A_10] : memref<33554432xf32, #tpu.memory_space<hbm>> -> memref<16384xf32, #tpu.memory_space<hbm>>
    %dma_start3A_15 = arith.constant 0 : i32
    %dma_start3A_16 = tpu.memref_slice %arg8[%dma_start3A, %dma_start3A_15] : memref<2x16384xf32, #tpu.memory_space<vmem>> -> memref<1x16384xf32, #tpu.memory_space<vmem>>
    %dma_start3A_17 = tpu.memref_squeeze %dma_start3A_16 : memref<1x16384xf32, #tpu.memory_space<vmem>> -> memref<16384xf32, #tpu.memory_space<vmem>>
    %dma_start3A_18 = tpu.memref_slice %arg2[%add3A_10] : memref<33554432xf32, #tpu.memory_space<hbm>> -> memref<16384xf32, #tpu.memory_space<hbm>>
    tpu.enqueue_dma source(%dma_start3A_18 : memref<16384xf32, #tpu.memory_space<hbm>>) target(%dma_start3A_17 : memref<16384xf32, #tpu.memory_space<vmem>>) target_semaphore(%arg10 : memref<!tpu.dma_semaphore, #tpu.memory_space<semaphore_mem>>)
    %scan3A = arith.constant 0 : i32
    %scan3A_19 = arith.constant 32 : i32
    %scan3A_20 = arith.addi %scan3A, %scan3A_19 : i32
    %scan3A_21 = arith.constant 1 : i32
    scf.for %scan3A_44 = %scan3A to %scan3A_20 step %scan3A_21  : i32 {
      %mul3A_45 = arith.constant 2 : i32
      %mul3A_46 = arith.muli %scan3A_44, %mul3A_45 : i32
      %add3A_47 = arith.constant 0 : i32
      %add3A_48 = arith.addi %add3A_47, %mul3A_46 : i32
      %add3A_49 = arith.constant 0 : i32
      %add3A_50 = arith.addi %add3A_48, %add3A_49 : i32
      %add3A_51 = arith.constant 1 : i32
      %add3A_52 = arith.addi %add3A_50, %add3A_51 : i32
      %lt3A = arith.constant 64 : i32
      %lt3A_53 = arith.cmpi slt, %add3A_52, %lt3A : i32
      %convert_element_type3A = arith.extui %lt3A_53 : i1 to i32
      %cond3A = arith.constant 0 : i32
      %cond3A_54 = arith.cmpi ne, %convert_element_type3A, %cond3A : i32
      scf.if %cond3A_54 {
        %add3A_126 = arith.constant 1 : i32
        %add3A_127 = arith.addi %add3A_50, %add3A_126 : i32
        %mul3A_128 = arith.constant 16384 : i32
        %mul3A_129 = arith.muli %add3A_127, %mul3A_128 : i32
        %add3A_130 = arith.addi %mul3A_8, %mul3A_129 : i32
        %dma_start3A_131 = arith.constant 1 : i32
        %dma_start3A_132 = arith.constant 0 : i32
        %dma_start3A_133 = tpu.memref_slice %arg8[%dma_start3A_131, %dma_start3A_132] : memref<2x16384xf32, #tpu.memory_space<vmem>> -> memref<1x16384xf32, #tpu.memory_space<vmem>>
        %dma_start3A_134 = tpu.memref_squeeze %dma_start3A_133 : memref<1x16384xf32, #tpu.memory_space<vmem>> -> memref<16384xf32, #tpu.memory_space<vmem>>
        %dma_start3A_135 = tpu.memref_slice %arg2[%add3A_130] : memref<33554432xf32, #tpu.memory_space<hbm>> -> memref<16384xf32, #tpu.memory_space<hbm>>
        %dma_start3A_136 = arith.constant 0 : i32
        %dma_start3A_137 = tpu.memref_slice %arg8[%dma_start3A_131, %dma_start3A_136] : memref<2x16384xf32, #tpu.memory_space<vmem>> -> memref<1x16384xf32, #tpu.memory_space<vmem>>
        %dma_start3A_138 = tpu.memref_squeeze %dma_start3A_137 : memref<1x16384xf32, #tpu.memory_space<vmem>> -> memref<16384xf32, #tpu.memory_space<vmem>>
        %dma_start3A_139 = tpu.memref_slice %arg2[%add3A_130] : memref<33554432xf32, #tpu.memory_space<hbm>> -> memref<16384xf32, #tpu.memory_space<hbm>>
        tpu.enqueue_dma source(%dma_start3A_139 : memref<16384xf32, #tpu.memory_space<hbm>>) target(%dma_start3A_138 : memref<16384xf32, #tpu.memory_space<vmem>>) target_semaphore(%arg11 : memref<!tpu.dma_semaphore, #tpu.memory_space<semaphore_mem>>)
      } else {
      }
      %mul3A_55 = arith.constant 16384 : i32
      %mul3A_56 = arith.muli %add3A_50, %mul3A_55 : i32
      %add3A_57 = arith.addi %mul3A_8, %mul3A_56 : i32
      %dma_wait3A_58 = arith.constant 0 : i32
      %dma_wait3A_59 = arith.constant 0 : i32
      %dma_wait3A_60 = tpu.memref_slice %arg8[%dma_wait3A_58, %dma_wait3A_59] : memref<2x16384xf32, #tpu.memory_space<vmem>> -> memref<1x16384xf32, #tpu.memory_space<vmem>>
      %dma_wait3A_61 = tpu.memref_squeeze %dma_wait3A_60 : memref<1x16384xf32, #tpu.memory_space<vmem>> -> memref<16384xf32, #tpu.memory_space<vmem>>
      %dma_wait3A_62 = tpu.memref_slice %arg2[%add3A_57] : memref<33554432xf32, #tpu.memory_space<hbm>> -> memref<16384xf32, #tpu.memory_space<hbm>>
      %dma_wait3A_63 = arith.constant 0 : i32
      %dma_wait3A_64 = tpu.memref_slice %arg8[%dma_wait3A_58, %dma_wait3A_63] : memref<2x16384xf32, #tpu.memory_space<vmem>> -> memref<1x16384xf32, #tpu.memory_space<vmem>>
      %dma_wait3A_65 = tpu.memref_squeeze %dma_wait3A_64 : memref<1x16384xf32, #tpu.memory_space<vmem>> -> memref<16384xf32, #tpu.memory_space<vmem>>
      %dma_wait3A_66 = tpu.memref_slice %arg2[%add3A_57] : memref<33554432xf32, #tpu.memory_space<hbm>> -> memref<16384xf32, #tpu.memory_space<hbm>>
      tpu.wait_dma2 semaphore(%arg10 : memref<!tpu.dma_semaphore, #tpu.memory_space<semaphore_mem>>) src(%dma_wait3A_66 : memref<16384xf32, #tpu.memory_space<hbm>>) dst(%dma_wait3A_65 : memref<16384xf32, #tpu.memory_space<vmem>>)
      %ge3A = arith.constant 2 : i32
      %ge3A_67 = arith.cmpi sge, %add3A_50, %ge3A : i32
      %convert_element_type3A_68 = arith.extui %ge3A_67 : i1 to i32
      %cond3A_69 = arith.constant 0 : i32
      %cond3A_70 = arith.cmpi ne, %convert_element_type3A_68, %cond3A_69 : i32
      scf.if %cond3A_70 {
        %sub3A = arith.constant 2 : i32
        %sub3A_126 = arith.subi %add3A_50, %sub3A : i32
        %mul3A_127 = arith.constant 16384 : i32
        %mul3A_128 = arith.muli %sub3A_126, %mul3A_127 : i32
        %add3A_129 = arith.addi %mul3A_8, %mul3A_128 : i32
        %dma_wait3A_130 = arith.constant 0 : i32
        %dma_wait3A_131 = arith.constant 0 : i32
        %dma_wait3A_132 = tpu.memref_slice %arg9[%dma_wait3A_130, %dma_wait3A_131] : memref<2x16384xf32, #tpu.memory_space<vmem>> -> memref<1x16384xf32, #tpu.memory_space<vmem>>
        %dma_wait3A_133 = tpu.memref_squeeze %dma_wait3A_132 : memref<1x16384xf32, #tpu.memory_space<vmem>> -> memref<16384xf32, #tpu.memory_space<vmem>>
        %dma_wait3A_134 = tpu.memref_slice %arg5[%add3A_129] : memref<33554432xf32, #tpu.memory_space<hbm>> -> memref<16384xf32, #tpu.memory_space<hbm>>
        %dma_wait3A_135 = tpu.memref_slice %arg5[%add3A_129] : memref<33554432xf32, #tpu.memory_space<hbm>> -> memref<16384xf32, #tpu.memory_space<hbm>>
        %dma_wait3A_136 = arith.constant 0 : i32
        %dma_wait3A_137 = tpu.memref_slice %arg9[%dma_wait3A_130, %dma_wait3A_136] : memref<2x16384xf32, #tpu.memory_space<vmem>> -> memref<1x16384xf32, #tpu.memory_space<vmem>>
        %dma_wait3A_138 = tpu.memref_squeeze %dma_wait3A_137 : memref<1x16384xf32, #tpu.memory_space<vmem>> -> memref<16384xf32, #tpu.memory_space<vmem>>
        tpu.wait_dma2 semaphore(%arg12 : memref<!tpu.dma_semaphore, #tpu.memory_space<semaphore_mem>>) src(%dma_wait3A_138 : memref<16384xf32, #tpu.memory_space<vmem>>) dst(%dma_wait3A_135 : memref<16384xf32, #tpu.memory_space<hbm>>)
      } else {
      }
      %parallel_loop3A = arith.constant 0 : i32
      %parallel_loop3A_71 = arith.constant 1024 : i32
      %parallel_loop3A_72 = arith.constant 1 : i32
      scf.for %parallel_loop3A_126 = %parallel_loop3A to %parallel_loop3A_71 step %parallel_loop3A_72  : i32 {
        %parallel_loop3A_127 = arith.constant 16 : i32
        %parallel_loop3A_128 = arith.muli %parallel_loop3A_126, %parallel_loop3A_127 : i32
        %parallel_loop3A_129 = arith.constant 0 : i32
        %parallel_loop3A_130 = arith.index_cast %parallel_loop3A_129 : i32 to index
        %parallel_loop3A_131 = arith.index_cast %parallel_loop3A_128 : i32 to index
        %parallel_loop3A_132 = tpu.vector_load %arg8[%parallel_loop3A_130, %parallel_loop3A_131] {strides = array<i32>} : memref<2x16384xf32, #tpu.memory_space<vmem>>, vector<16xf32>,
        %parallel_loop3A_133 = vector.bitcast %parallel_loop3A_132 : vector<16xf32> to vector<16xi32>
        %parallel_loop3A_134 = arith.constant -2147483648 : i32
        %parallel_loop3A_135 = vector.broadcast %parallel_loop3A_134 : i32 to vector<16xi32>
        %parallel_loop3A_136 = arith.andi %parallel_loop3A_133, %parallel_loop3A_135 : vector<16xi32>
        %parallel_loop3A_137 = arith.constant 2147483647 : i32
        %parallel_loop3A_138 = vector.broadcast %parallel_loop3A_137 : i32 to vector<16xi32>
        %parallel_loop3A_139 = arith.andi %parallel_loop3A_133, %parallel_loop3A_138 : vector<16xi32>
        %parallel_loop3A_140 = vector.bitcast %parallel_loop3A_139 : vector<16xi32> to vector<16xf32>
        %parallel_loop3A_141 = arith.mulf %parallel_loop3A_140, %div3A_6 : vector<16xf32>
        %parallel_loop3A_142 = arith.constant 2.32830644E-10 : f32
        %parallel_loop3A_143 = vector.broadcast %parallel_loop3A_142 : f32 to vector<16xf32>
        %parallel_loop3A_144 = arith.maximumf %parallel_loop3A_141, %parallel_loop3A_143 : vector<16xf32>
        %parallel_loop3A_145 = vector.bitcast %parallel_loop3A_144 : vector<16xf32> to vector<16xi32>
        %parallel_loop3A_146 = arith.constant 15 : i32
        %parallel_loop3A_147 = vector.broadcast %parallel_loop3A_146 : i32 to vector<16xi32>
        %parallel_loop3A_148 = arith.shrui %parallel_loop3A_145, %parallel_loop3A_147 : vector<16xi32>
        %parallel_loop3A_149 = arith.constant 24320 : i32
        %parallel_loop3A_150 = vector.broadcast %parallel_loop3A_149 : i32 to vector<16xi32>
        %parallel_loop3A_151 = arith.subi %parallel_loop3A_148, %parallel_loop3A_150 : vector<16xi32>
        %parallel_loop3A_152 = tpu.vector_load_idx %arg6[%parallel_loop3A_151] : memref<9216xf32, #tpu.memory_space<vmem>>[vector<16xi32>], vector<16xf32>,
        %parallel_loop3A_153 = arith.constant 1 : i32
        %parallel_loop3A_154 = vector.broadcast %parallel_loop3A_153 : i32 to vector<16xi32>
        %parallel_loop3A_155 = arith.addi %parallel_loop3A_151, %parallel_loop3A_154 : vector<16xi32>
        %parallel_loop3A_156 = tpu.vector_load_idx %arg6[%parallel_loop3A_155] : memref<9216xf32, #tpu.memory_space<vmem>>[vector<16xi32>], vector<16xf32>,
        %parallel_loop3A_157 = arith.addf %parallel_loop3A_140, %parallel_loop3A_140 : vector<16xf32>
        %parallel_loop3A_158 = arith.addf %parallel_loop3A_152, %parallel_loop3A_156 : vector<16xf32>
        %parallel_loop3A_159 = arith.cmpf ogt, %parallel_loop3A_157, %parallel_loop3A_158 : vector<16xf32>
        %parallel_loop3A_160 = arith.select %parallel_loop3A_159, %parallel_loop3A_156, %parallel_loop3A_152 : vector<16xi1>, vector<16xf32>
        %parallel_loop3A_161 = vector.bitcast %parallel_loop3A_160 : vector<16xf32> to vector<16xi32>
        %parallel_loop3A_162 = arith.ori %parallel_loop3A_161, %parallel_loop3A_136 : vector<16xi32>
        %parallel_loop3A_163 = vector.bitcast %parallel_loop3A_162 : vector<16xi32> to vector<16xf32>
        %parallel_loop3A_164 = arith.constant 0 : i32
        %parallel_loop3A_165 = arith.index_cast %parallel_loop3A_164 : i32 to index
        %parallel_loop3A_166 = arith.index_cast %parallel_loop3A_128 : i32 to index
        %parallel_loop3A_167 = tpu.vector_load %arg9[%parallel_loop3A_165, %parallel_loop3A_166] {strides = array<i32>} : memref<2x16384xf32, #tpu.memory_space<vmem>>, vector<16xf32>,
        tpu.vector_store %arg9[%parallel_loop3A_165, %parallel_loop3A_166], %parallel_loop3A_163 {strides = array<i32>} : memref<2x16384xf32, #tpu.memory_space<vmem>>, vector<16xf32>,
      } {sc.loop_unroll_factor = 8 : i64, sc.parallel_access}
      %mul3A_73 = arith.constant 16384 : i32
      %mul3A_74 = arith.muli %add3A_50, %mul3A_73 : i32
      %add3A_75 = arith.addi %mul3A_8, %mul3A_74 : i32
      %dma_start3A_76 = arith.constant 0 : i32
      %dma_start3A_77 = arith.constant 0 : i32
      %dma_start3A_78 = tpu.memref_slice %arg9[%dma_start3A_76, %dma_start3A_77] : memref<2x16384xf32, #tpu.memory_space<vmem>> -> memref<1x16384xf32, #tpu.memory_space<vmem>>
      %dma_start3A_79 = tpu.memref_squeeze %dma_start3A_78 : memref<1x16384xf32, #tpu.memory_space<vmem>> -> memref<16384xf32, #tpu.memory_space<vmem>>
      %dma_start3A_80 = tpu.memref_slice %arg5[%add3A_75] : memref<33554432xf32, #tpu.memory_space<hbm>> -> memref<16384xf32, #tpu.memory_space<hbm>>
      %dma_start3A_81 = tpu.memref_slice %arg5[%add3A_75] : memref<33554432xf32, #tpu.memory_space<hbm>> -> memref<16384xf32, #tpu.memory_space<hbm>>
      %dma_start3A_82 = arith.constant 0 : i32
      %dma_start3A_83 = tpu.memref_slice %arg9[%dma_start3A_76, %dma_start3A_82] : memref<2x16384xf32, #tpu.memory_space<vmem>> -> memref<1x16384xf32, #tpu.memory_space<vmem>>
      %dma_start3A_84 = tpu.memref_squeeze %dma_start3A_83 : memref<1x16384xf32, #tpu.memory_space<vmem>> -> memref<16384xf32, #tpu.memory_space<vmem>>
      tpu.enqueue_dma source(%dma_start3A_84 : memref<16384xf32, #tpu.memory_space<vmem>>) target(%dma_start3A_81 : memref<16384xf32, #tpu.memory_space<hbm>>) target_semaphore(%arg12 : memref<!tpu.dma_semaphore, #tpu.memory_space<semaphore_mem>>)
      %add3A_85 = arith.constant 1 : i32
      %add3A_86 = arith.addi %add3A_48, %add3A_85 : i32
      %add3A_87 = arith.constant 1 : i32
      %add3A_88 = arith.addi %add3A_86, %add3A_87 : i32
      %lt3A_89 = arith.constant 64 : i32
      %lt3A_90 = arith.cmpi slt, %add3A_88, %lt3A_89 : i32
      %convert_element_type3A_91 = arith.extui %lt3A_90 : i1 to i32
      %cond3A_92 = arith.constant 0 : i32
      %cond3A_93 = arith.cmpi ne, %convert_element_type3A_91, %cond3A_92 : i32
      scf.if %cond3A_93 {
        %add3A_126 = arith.constant 1 : i32
        %add3A_127 = arith.addi %add3A_86, %add3A_126 : i32
        %mul3A_128 = arith.constant 16384 : i32
        %mul3A_129 = arith.muli %add3A_127, %mul3A_128 : i32
        %add3A_130 = arith.addi %mul3A_8, %mul3A_129 : i32
        %dma_start3A_131 = arith.constant 0 : i32
        %dma_start3A_132 = arith.constant 0 : i32
        %dma_start3A_133 = tpu.memref_slice %arg8[%dma_start3A_131, %dma_start3A_132] : memref<2x16384xf32, #tpu.memory_space<vmem>> -> memref<1x16384xf32, #tpu.memory_space<vmem>>
        %dma_start3A_134 = tpu.memref_squeeze %dma_start3A_133 : memref<1x16384xf32, #tpu.memory_space<vmem>> -> memref<16384xf32, #tpu.memory_space<vmem>>
        %dma_start3A_135 = tpu.memref_slice %arg2[%add3A_130] : memref<33554432xf32, #tpu.memory_space<hbm>> -> memref<16384xf32, #tpu.memory_space<hbm>>
        %dma_start3A_136 = arith.constant 0 : i32
        %dma_start3A_137 = tpu.memref_slice %arg8[%dma_start3A_131, %dma_start3A_136] : memref<2x16384xf32, #tpu.memory_space<vmem>> -> memref<1x16384xf32, #tpu.memory_space<vmem>>
        %dma_start3A_138 = tpu.memref_squeeze %dma_start3A_137 : memref<1x16384xf32, #tpu.memory_space<vmem>> -> memref<16384xf32, #tpu.memory_space<vmem>>
        %dma_start3A_139 = tpu.memref_slice %arg2[%add3A_130] : memref<33554432xf32, #tpu.memory_space<hbm>> -> memref<16384xf32, #tpu.memory_space<hbm>>
        tpu.enqueue_dma source(%dma_start3A_139 : memref<16384xf32, #tpu.memory_space<hbm>>) target(%dma_start3A_138 : memref<16384xf32, #tpu.memory_space<vmem>>) target_semaphore(%arg10 : memref<!tpu.dma_semaphore, #tpu.memory_space<semaphore_mem>>)
      } else {
      }
      %mul3A_94 = arith.constant 16384 : i32
      %mul3A_95 = arith.muli %add3A_86, %mul3A_94 : i32
      %add3A_96 = arith.addi %mul3A_8, %mul3A_95 : i32
      %dma_wait3A_97 = arith.constant 1 : i32
      %dma_wait3A_98 = arith.constant 0 : i32
      %dma_wait3A_99 = tpu.memref_slice %arg8[%dma_wait3A_97, %dma_wait3A_98] : memref<2x16384xf32, #tpu.memory_space<vmem>> -> memref<1x16384xf32, #tpu.memory_space<vmem>>
      %dma_wait3A_100 = tpu.memref_squeeze %dma_wait3A_99 : memref<1x16384xf32, #tpu.memory_space<vmem>> -> memref<16384xf32, #tpu.memory_space<vmem>>
      %dma_wait3A_101 = tpu.memref_slice %arg2[%add3A_96] : memref<33554432xf32, #tpu.memory_space<hbm>> -> memref<16384xf32, #tpu.memory_space<hbm>>
      %dma_wait3A_102 = arith.constant 0 : i32
      %dma_wait3A_103 = tpu.memref_slice %arg8[%dma_wait3A_97, %dma_wait3A_102] : memref<2x16384xf32, #tpu.memory_space<vmem>> -> memref<1x16384xf32, #tpu.memory_space<vmem>>
      %dma_wait3A_104 = tpu.memref_squeeze %dma_wait3A_103 : memref<1x16384xf32, #tpu.memory_space<vmem>> -> memref<16384xf32, #tpu.memory_space<vmem>>
      %dma_wait3A_105 = tpu.memref_slice %arg2[%add3A_96] : memref<33554432xf32, #tpu.memory_space<hbm>> -> memref<16384xf32, #tpu.memory_space<hbm>>
      tpu.wait_dma2 semaphore(%arg11 : memref<!tpu.dma_semaphore, #tpu.memory_space<semaphore_mem>>) src(%dma_wait3A_105 : memref<16384xf32, #tpu.memory_space<hbm>>) dst(%dma_wait3A_104 : memref<16384xf32, #tpu.memory_space<vmem>>)
      %ge3A_106 = arith.constant 2 : i32
      %ge3A_107 = arith.cmpi sge, %add3A_86, %ge3A_106 : i32
      %convert_element_type3A_108 = arith.extui %ge3A_107 : i1 to i32
      %cond3A_109 = arith.constant 0 : i32
      %cond3A_110 = arith.cmpi ne, %convert_element_type3A_108, %cond3A_109 : i32
      scf.if %cond3A_110 {
        %sub3A = arith.constant 2 : i32
        %sub3A_126 = arith.subi %add3A_86, %sub3A : i32
        %mul3A_127 = arith.constant 16384 : i32
        %mul3A_128 = arith.muli %sub3A_126, %mul3A_127 : i32
        %add3A_129 = arith.addi %mul3A_8, %mul3A_128 : i32
        %dma_wait3A_130 = arith.constant 1 : i32
        %dma_wait3A_131 = arith.constant 0 : i32
        %dma_wait3A_132 = tpu.memref_slice %arg9[%dma_wait3A_130, %dma_wait3A_131] : memref<2x16384xf32, #tpu.memory_space<vmem>> -> memref<1x16384xf32, #tpu.memory_space<vmem>>
        %dma_wait3A_133 = tpu.memref_squeeze %dma_wait3A_132 : memref<1x16384xf32, #tpu.memory_space<vmem>> -> memref<16384xf32, #tpu.memory_space<vmem>>
        %dma_wait3A_134 = tpu.memref_slice %arg5[%add3A_129] : memref<33554432xf32, #tpu.memory_space<hbm>> -> memref<16384xf32, #tpu.memory_space<hbm>>
        %dma_wait3A_135 = tpu.memref_slice %arg5[%add3A_129] : memref<33554432xf32, #tpu.memory_space<hbm>> -> memref<16384xf32, #tpu.memory_space<hbm>>
        %dma_wait3A_136 = arith.constant 0 : i32
        %dma_wait3A_137 = tpu.memref_slice %arg9[%dma_wait3A_130, %dma_wait3A_136] : memref<2x16384xf32, #tpu.memory_space<vmem>> -> memref<1x16384xf32, #tpu.memory_space<vmem>>
        %dma_wait3A_138 = tpu.memref_squeeze %dma_wait3A_137 : memref<1x16384xf32, #tpu.memory_space<vmem>> -> memref<16384xf32, #tpu.memory_space<vmem>>
        tpu.wait_dma2 semaphore(%arg13 : memref<!tpu.dma_semaphore, #tpu.memory_space<semaphore_mem>>) src(%dma_wait3A_138 : memref<16384xf32, #tpu.memory_space<vmem>>) dst(%dma_wait3A_135 : memref<16384xf32, #tpu.memory_space<hbm>>)
      } else {
      }
      %parallel_loop3A_111 = arith.constant 0 : i32
      %parallel_loop3A_112 = arith.constant 1024 : i32
      %parallel_loop3A_113 = arith.constant 1 : i32
      scf.for %parallel_loop3A_126 = %parallel_loop3A_111 to %parallel_loop3A_112 step %parallel_loop3A_113  : i32 {
        %parallel_loop3A_127 = arith.constant 16 : i32
        %parallel_loop3A_128 = arith.muli %parallel_loop3A_126, %parallel_loop3A_127 : i32
        %parallel_loop3A_129 = arith.constant 1 : i32
        %parallel_loop3A_130 = arith.index_cast %parallel_loop3A_129 : i32 to index
        %parallel_loop3A_131 = arith.index_cast %parallel_loop3A_128 : i32 to index
        %parallel_loop3A_132 = tpu.vector_load %arg8[%parallel_loop3A_130, %parallel_loop3A_131] {strides = array<i32>} : memref<2x16384xf32, #tpu.memory_space<vmem>>, vector<16xf32>,
        %parallel_loop3A_133 = vector.bitcast %parallel_loop3A_132 : vector<16xf32> to vector<16xi32>
        %parallel_loop3A_134 = arith.constant -2147483648 : i32
        %parallel_loop3A_135 = vector.broadcast %parallel_loop3A_134 : i32 to vector<16xi32>
        %parallel_loop3A_136 = arith.andi %parallel_loop3A_133, %parallel_loop3A_135 : vector<16xi32>
        %parallel_loop3A_137 = arith.constant 2147483647 : i32
        %parallel_loop3A_138 = vector.broadcast %parallel_loop3A_137 : i32 to vector<16xi32>
        %parallel_loop3A_139 = arith.andi %parallel_loop3A_133, %parallel_loop3A_138 : vector<16xi32>
        %parallel_loop3A_140 = vector.bitcast %parallel_loop3A_139 : vector<16xi32> to vector<16xf32>
        %parallel_loop3A_141 = arith.mulf %parallel_loop3A_140, %div3A_6 : vector<16xf32>
        %parallel_loop3A_142 = arith.constant 2.32830644E-10 : f32
        %parallel_loop3A_143 = vector.broadcast %parallel_loop3A_142 : f32 to vector<16xf32>
        %parallel_loop3A_144 = arith.maximumf %parallel_loop3A_141, %parallel_loop3A_143 : vector<16xf32>
        %parallel_loop3A_145 = vector.bitcast %parallel_loop3A_144 : vector<16xf32> to vector<16xi32>
        %parallel_loop3A_146 = arith.constant 15 : i32
        %parallel_loop3A_147 = vector.broadcast %parallel_loop3A_146 : i32 to vector<16xi32>
        %parallel_loop3A_148 = arith.shrui %parallel_loop3A_145, %parallel_loop3A_147 : vector<16xi32>
        %parallel_loop3A_149 = arith.constant 24320 : i32
        %parallel_loop3A_150 = vector.broadcast %parallel_loop3A_149 : i32 to vector<16xi32>
        %parallel_loop3A_151 = arith.subi %parallel_loop3A_148, %parallel_loop3A_150 : vector<16xi32>
        %parallel_loop3A_152 = tpu.vector_load_idx %arg6[%parallel_loop3A_151] : memref<9216xf32, #tpu.memory_space<vmem>>[vector<16xi32>], vector<16xf32>,
        %parallel_loop3A_153 = arith.constant 1 : i32
        %parallel_loop3A_154 = vector.broadcast %parallel_loop3A_153 : i32 to vector<16xi32>
        %parallel_loop3A_155 = arith.addi %parallel_loop3A_151, %parallel_loop3A_154 : vector<16xi32>
        %parallel_loop3A_156 = tpu.vector_load_idx %arg6[%parallel_loop3A_155] : memref<9216xf32, #tpu.memory_space<vmem>>[vector<16xi32>], vector<16xf32>,
        %parallel_loop3A_157 = arith.addf %parallel_loop3A_140, %parallel_loop3A_140 : vector<16xf32>
        %parallel_loop3A_158 = arith.addf %parallel_loop3A_152, %parallel_loop3A_156 : vector<16xf32>
        %parallel_loop3A_159 = arith.cmpf ogt, %parallel_loop3A_157, %parallel_loop3A_158 : vector<16xf32>
        %parallel_loop3A_160 = arith.select %parallel_loop3A_159, %parallel_loop3A_156, %parallel_loop3A_152 : vector<16xi1>, vector<16xf32>
        %parallel_loop3A_161 = vector.bitcast %parallel_loop3A_160 : vector<16xf32> to vector<16xi32>
        %parallel_loop3A_162 = arith.ori %parallel_loop3A_161, %parallel_loop3A_136 : vector<16xi32>
        %parallel_loop3A_163 = vector.bitcast %parallel_loop3A_162 : vector<16xi32> to vector<16xf32>
        %parallel_loop3A_164 = arith.constant 1 : i32
        %parallel_loop3A_165 = arith.index_cast %parallel_loop3A_164 : i32 to index
        %parallel_loop3A_166 = arith.index_cast %parallel_loop3A_128 : i32 to index
        %parallel_loop3A_167 = tpu.vector_load %arg9[%parallel_loop3A_165, %parallel_loop3A_166] {strides = array<i32>} : memref<2x16384xf32, #tpu.memory_space<vmem>>, vector<16xf32>,
        tpu.vector_store %arg9[%parallel_loop3A_165, %parallel_loop3A_166], %parallel_loop3A_163 {strides = array<i32>} : memref<2x16384xf32, #tpu.memory_space<vmem>>, vector<16xf32>,
      } {sc.loop_unroll_factor = 8 : i64, sc.parallel_access}
      %mul3A_114 = arith.constant 16384 : i32
      %mul3A_115 = arith.muli %add3A_86, %mul3A_114 : i32
      %add3A_116 = arith.addi %mul3A_8, %mul3A_115 : i32
      %dma_start3A_117 = arith.constant 1 : i32
      %dma_start3A_118 = arith.constant 0 : i32
      %dma_start3A_119 = tpu.memref_slice %arg9[%dma_start3A_117, %dma_start3A_118] : memref<2x16384xf32, #tpu.memory_space<vmem>> -> memref<1x16384xf32, #tpu.memory_space<vmem>>
      %dma_start3A_120 = tpu.memref_squeeze %dma_start3A_119 : memref<1x16384xf32, #tpu.memory_space<vmem>> -> memref<16384xf32, #tpu.memory_space<vmem>>
      %dma_start3A_121 = tpu.memref_slice %arg5[%add3A_116] : memref<33554432xf32, #tpu.memory_space<hbm>> -> memref<16384xf32, #tpu.memory_space<hbm>>
      %dma_start3A_122 = tpu.memref_slice %arg5[%add3A_116] : memref<33554432xf32, #tpu.memory_space<hbm>> -> memref<16384xf32, #tpu.memory_space<hbm>>
      %dma_start3A_123 = arith.constant 0 : i32
      %dma_start3A_124 = tpu.memref_slice %arg9[%dma_start3A_117, %dma_start3A_123] : memref<2x16384xf32, #tpu.memory_space<vmem>> -> memref<1x16384xf32, #tpu.memory_space<vmem>>
      %dma_start3A_125 = tpu.memref_squeeze %dma_start3A_124 : memref<1x16384xf32, #tpu.memory_space<vmem>> -> memref<16384xf32, #tpu.memory_space<vmem>>
      tpu.enqueue_dma source(%dma_start3A_125 : memref<16384xf32, #tpu.memory_space<vmem>>) target(%dma_start3A_122 : memref<16384xf32, #tpu.memory_space<hbm>>) target_semaphore(%arg13 : memref<!tpu.dma_semaphore, #tpu.memory_space<semaphore_mem>>)
    }
    %scan3A_22 = arith.constant 32 : i32
    %add3A_23 = arith.constant 1015808 : i32
    %add3A_24 = arith.addi %mul3A_8, %add3A_23 : i32
    %dma_wait3A = arith.constant 0 : i32
    %dma_wait3A_25 = arith.constant 0 : i32
    %dma_wait3A_26 = tpu.memref_slice %arg9[%dma_wait3A, %dma_wait3A_25] : memref<2x16384xf32, #tpu.memory_space<vmem>> -> memref<1x16384xf32, #tpu.memory_space<vmem>>
    %dma_wait3A_27 = tpu.memref_squeeze %dma_wait3A_26 : memref<1x16384xf32, #tpu.memory_space<vmem>> -> memref<16384xf32, #tpu.memory_space<vmem>>
    %dma_wait3A_28 = tpu.memref_slice %arg5[%add3A_24] : memref<33554432xf32, #tpu.memory_space<hbm>> -> memref<16384xf32, #tpu.memory_space<hbm>>
    %dma_wait3A_29 = tpu.memref_slice %arg5[%add3A_24] : memref<33554432xf32, #tpu.memory_space<hbm>> -> memref<16384xf32, #tpu.memory_space<hbm>>
    %dma_wait3A_30 = arith.constant 0 : i32
    %dma_wait3A_31 = tpu.memref_slice %arg9[%dma_wait3A, %dma_wait3A_30] : memref<2x16384xf32, #tpu.memory_space<vmem>> -> memref<1x16384xf32, #tpu.memory_space<vmem>>
    %dma_wait3A_32 = tpu.memref_squeeze %dma_wait3A_31 : memref<1x16384xf32, #tpu.memory_space<vmem>> -> memref<16384xf32, #tpu.memory_space<vmem>>
    tpu.wait_dma2 semaphore(%arg12 : memref<!tpu.dma_semaphore, #tpu.memory_space<semaphore_mem>>) src(%dma_wait3A_32 : memref<16384xf32, #tpu.memory_space<vmem>>) dst(%dma_wait3A_29 : memref<16384xf32, #tpu.memory_space<hbm>>)
    %add3A_33 = arith.constant 1032192 : i32
    %add3A_34 = arith.addi %mul3A_8, %add3A_33 : i32
    %dma_wait3A_35 = arith.constant 1 : i32
    %dma_wait3A_36 = arith.constant 0 : i32
    %dma_wait3A_37 = tpu.memref_slice %arg9[%dma_wait3A_35, %dma_wait3A_36] : memref<2x16384xf32, #tpu.memory_space<vmem>> -> memref<1x16384xf32, #tpu.memory_space<vmem>>
    %dma_wait3A_38 = tpu.memref_squeeze %dma_wait3A_37 : memref<1x16384xf32, #tpu.memory_space<vmem>> -> memref<16384xf32, #tpu.memory_space<vmem>>
    %dma_wait3A_39 = tpu.memref_slice %arg5[%add3A_34] : memref<33554432xf32, #tpu.memory_space<hbm>> -> memref<16384xf32, #tpu.memory_space<hbm>>
    %dma_wait3A_40 = tpu.memref_slice %arg5[%add3A_34] : memref<33554432xf32, #tpu.memory_space<hbm>> -> memref<16384xf32, #tpu.memory_space<hbm>>
    %dma_wait3A_41 = arith.constant 0 : i32
    %dma_wait3A_42 = tpu.memref_slice %arg9[%dma_wait3A_35, %dma_wait3A_41] : memref<2x16384xf32, #tpu.memory_space<vmem>> -> memref<1x16384xf32, #tpu.memory_space<vmem>>
    %dma_wait3A_43 = tpu.memref_squeeze %dma_wait3A_42 : memref<1x16384xf32, #tpu.memory_space<vmem>> -> memref<16384xf32, #tpu.memory_space<vmem>>
    tpu.wait_dma2 semaphore(%arg13 : memref<!tpu.dma_semaphore, #tpu.memory_space<semaphore_mem>>) src(%dma_wait3A_43 : memref<16384xf32, #tpu.memory_space<vmem>>) dst(%dma_wait3A_40 : memref<16384xf32, #tpu.memory_space<hbm>>)
    return
  }
}

module attributes {stable_mosaic.version = 14 : i64} {
  func.func @_lut_build_body(%arg0: memref<1xf32, #tpu.memory_space<smem>>, %arg1: memref<256xf32, #tpu.memory_space<smem>>, %arg2: memref<72x128xf32, #tpu.memory_space<vmem>>) attributes {dimension_semantics = [], scalar_prefetch = 0 : i64, scratch_operands = 0 : i64, tpu.core_type = #tpu.core_type<tc>} {
    %iota3A = tpu.iota {dimensions = array<i32: 0>} : vector<72x128xi32>
    %mul3A = arith.constant 128 : i32
    %mul3A_0 = vector.broadcast %mul3A : i32 to vector<72x128xi32>
    %mul3A_1 = arith.muli %iota3A, %mul3A_0 : vector<72x128xi32>
    %iota3A_2 = tpu.iota {dimensions = array<i32: 1>} : vector<72x128xi32>
    %add3A = arith.addi %mul3A_1, %iota3A_2 : vector<72x128xi32>
    %add3A_3 = arith.constant 24320 : i32
    %add3A_4 = vector.broadcast %add3A_3 : i32 to vector<72x128xi32>
    %add3A_5 = arith.addi %add3A, %add3A_4 : vector<72x128xi32>
    %shift_left3A = arith.constant 15 : i32
    %shift_left3A_6 = vector.broadcast %shift_left3A : i32 to vector<72x128xi32>
    %shift_left3A_7 = arith.shli %add3A_5, %shift_left3A_6 : vector<72x128xi32>
    %bitcast_convert_type3A = tpu.bitcast %shift_left3A_7 : vector<72x128xi32> -> vector<72x128xf32>
    %broadcast_in_dim3A = arith.constant 0.000000e+00 : f32
    %broadcast_in_dim3A_8 = vector.broadcast %broadcast_in_dim3A : f32 to vector<72x128xf32>
    %scan3A = arith.constant 0 : i32
    %scan3A_9 = arith.constant 255 : i32
    %scan3A_10 = arith.addi %scan3A, %scan3A_9 : i32
    %scan3A_11 = arith.constant 1 : i32
    %scan3A_12 = scf.for %scan3A_21 = %scan3A to %scan3A_10 step %scan3A_11 iter_args(%scan3A_22 = %broadcast_in_dim3A_8) -> (vector<72x128xf32>)  : i32 {
      %get3A_23 = arith.index_cast %scan3A_21 : i32 to index
      %get3A_24 = memref.load %arg1[%get3A_23] : memref<256xf32, #tpu.memory_space<smem>>
      %add3A_25 = arith.constant 1 : i32
      %add3A_26 = arith.addi %scan3A_21, %add3A_25 : i32
      %get3A_27 = arith.index_cast %add3A_26 : i32 to index
      %get3A_28 = memref.load %arg1[%get3A_27] : memref<256xf32, #tpu.memory_space<smem>>
      %add3A_29 = arith.addf %get3A_24, %get3A_28 : f32
      %mul3A_30 = arith.constant 5.000000e-01 : f32
      %mul3A_31 = arith.mulf %add3A_29, %mul3A_30 : f32
      %sub3A = arith.subf %get3A_28, %get3A_24 : f32
      %gt3A = vector.broadcast %mul3A_31 : f32 to vector<72x128xf32>
      %gt3A_32 = arith.cmpf ogt, %bitcast_convert_type3A, %gt3A : vector<72x128xf32>
      %jit3A = arith.constant 0.000000e+00 : f32
      %broadcast_in_dim3A_33 = vector.broadcast %sub3A : f32 to vector<72x128xf32>
      %broadcast_in_dim3A_34 = vector.broadcast %jit3A : f32 to vector<72x128xf32>
      %select_n3A = arith.select %gt3A_32, %broadcast_in_dim3A_33, %broadcast_in_dim3A_34 : vector<72x128xi1>, vector<72x128xf32>
      %add3A_35 = arith.addf %scan3A_22, %select_n3A : vector<72x128xf32>
      scf.yield %add3A_35 : vector<72x128xf32>
    }
    %scan3A_13 = arith.constant 255 : i32
    %get3A = arith.constant 0 : index
    %get3A_14 = memref.load %arg0[%get3A] : memref<1xf32, #tpu.memory_space<smem>>
    %abs3A = math.absf %get3A_14 : f32
    %add3A_15 = arith.constant 9.99999993E-9 : f32
    %add3A_16 = arith.addf %abs3A, %add3A_15 : f32
    %mul3A_17 = vector.broadcast %add3A_16 : f32 to vector<72x128xf32>
    %mul3A_18 = arith.mulf %scan3A_12, %mul3A_17 : vector<72x128xf32>
    %swap3A = arith.constant 0 : index
    %swap3A_19 = arith.constant 0 : index
    %swap3A_20 = vector.load %arg2[%swap3A, %swap3A_19] : memref<72x128xf32, #tpu.memory_space<vmem>>, vector<72x128xf32>
    tpu.vector_store %arg2[%swap3A, %swap3A_19], %mul3A_18 {strides = array<i32>} : memref<72x128xf32, #tpu.memory_space<vmem>>, vector<72x128xf32>,
    return
  }
}

</mosaic_0001>

<sc_bundles>
// kernel: kernel.4.cloned.1.call-start
scs
__scs_entry_jumppad:
0x0: {  	(pc) =	sbr.rel $0x88, $3  }
0x1: {  	(tag) =	ssettag $0x0;
	lr =	simm.s32 $0x1  }
0x2: {  	[smem:$0x3F9E] =	sst lr;
	_ =	strace $0xD0000000  }
0x3: {  	_ = 	snop  }
0x4: {  	_ = 	snop  }
0x5: {  	_ = 	snop  }
0x6: {  	_ = 	snop  }
0x7: {  	_ = 	snop  }
__scs_overlays_trampoline_lowered:
0x8: {  	[smem:$0x3FAD] =	sst s0  }
0x9: {  	[smem:$0x3FAE] =	sst s1  }
0xa: {  	[smem:$0x3FAF] =	sst s2  }
0xb: {  	[smem:$0x3FB0] =	sst s3  }
0xc: {  	[smem:$0x3FB1] =	sst s4  }
0xd: {  	[smem:$0x3FB2] =	sst s5  }
0xe: {  	[smem:$0x3FB3] =	sst s6  }
0xf: {  	[smem:$0x3FB4] =	sst s7  }
0x10: {  	[smem:$0x3FB5] =	sst s8  }
0x11: {  	[smem:$0x3FB6] =	sst s9;
	s0 =	simm.s32 @!p0 $0x0  }
0x12: {  	s1 =	sld [smem:$0x3F9C];
	s0 =	simm.s32 @p0 $0x1  }
0x13: {  	[smem:$0x3FB7] =	sst s0;
	s0 =	simm.s32 @!p1 $0x0  }
0x14: {  	s2 =	sld [smem:$0x3F9B];
	s0 =	simm.s32 @p1 $0x1  }
0x15: {  	[smem:$0x3FB8] =	sst s0;
	s0 =	simm.s32 @!p2 $0x0  }
0x16: {  	s3 =	sld [smem:$0x3FDB];
	s0 =	simm.s32 @p2 $0x1  }
0x17: {  	s4 =	simm.s32 $0x1BF5;
	[smem:$0x3FBA] =	sst s0  }
0x18: {  	s0 =	sld [smem:$0x3F9D];
	_ =	swait.ge [sflag:s4], $0x0  }
0x19: {  	s7 =	sld [smem:$0x3F9E]  }
0x1a: {  	s8 =	sadd.s32 $0xFFFFE003, lr  }
0x1b: {  	s9 =	sadd.s32 $0xFFFFFEF7, lr;
	s5 =	simm.s32 $0xFFFFFFFF;
	p2 =	slt.u32 s8, $0xFFFFF086  }
0x1c: {  	p1 =	slt.u32 s9, $0xF7A;
	s5 =	simm.s32 @!p2 $0x0  }
0x1d: {  	s5 =	simm.s32 @p1 $0x1;
	p0 =	seq.s32 s7, s2  }
0x1e: {  	s7 =	smul.u32 @!p0 $0xF7A, s2;
	p2 =	seq.s32 @!p0 s5, $0x0  }
0x1f: {  	s9 =	smul.u32 $0xF7A, s1;
	s8 =	simm.s32 @!p0 $0x1BF5;
	p2 =	por !p2, p0  }
0x20: {  	[sflag:s8] =	ssyncset.s32 @!p0 $0xFFFFF086;
	s6 =	sadd.s32 @!p0 s3, s7;
	s7 =	simm.s32 @!p0 $0x108  }
0x21: {  	s3 =	sadd.s32 s3, s9;
	s6 =	sadd.s32 @!p0 $0x88, s6;
	s7 =	simm.s32 @p2 $0x1082  }
0x22: {  	[simem:s7], [sflag:s8] =	dma.local @!p0 [hbm:s6], $0xF7A  }
0x23: {  	s9 =	sor.u32 $0xD0000000, s2;
	s6 =	simm.s32 $0x108;
	_ =	swait.ge @!p0 [sflag:s8], $0x0  }
0x24: {  	s3 =	sadd.s32 $0x88, s3;
	s6 =	simm.s32 @!p1 $0x1082;
	[sflag:s4] =	ssyncset.s32 $0xFFFFF086  }
0x25: {  	[simem:s6], [sflag:s4] =	dma.local [hbm:s3], $0xF7A  }
0x26: {  	[smem:$0x3F9E] =	sst s1;
	(tag) =	ssettag s2;
	_ =	strace s9  }
0x27: {  	s1 =	sld [smem:$0x3FAE]  }
0x28: {  	s2 =	sld [smem:$0x3FAF]  }
0x29: {  	s4 =	sld [smem:$0x3FB1]  }
0x2a: {  	p0 =	seq.s32 s5, $0x0;
	s5 =	sld [smem:$0x3FB2]  }
0x2b: {  	s6 =	sld [smem:$0x3FB3]  }
0x2c: {  	s7 =	sld [smem:$0x3FB4]  }
0x2d: {  	s3 =	simm.s32 $0x108;
	s8 =	sld [smem:$0x3FB5]  }
0x2e: {  	s3 =	simm.s32 @!p0 $0x1082;
	s9 =	sld [smem:$0x3FB6]  }
0x2f: {  	lr =	sadd.s32 s0, s3;
	s0 =	sld [smem:$0x3FAD]  }
0x30: {  	s3 =	sld [smem:$0x3FB0]  }
0x31: {  	[smem:$0x3FB9] =	sst s10  }
0x32: {  	s10 =	sld [smem:$0x3FB7];
	_ =	sdelay $0x3  }
0x33: {  	p0 =	seq.s32 s10, $0x1;
	s10 =	sld [smem:$0x3FB9];
	_ =	sdelay $0x3  }
0x34: {  	[smem:$0x3FB9] =	sst s10  }
0x35: {  	s10 =	sld [smem:$0x3FB8];
	_ =	sdelay $0x3  }
0x36: {  	p1 =	seq.s32 s10, $0x1;
	s10 =	sld [smem:$0x3FB9];
	_ =	sdelay $0x3  }
0x37: {  	[smem:$0x3FB9] =	sst s10  }
0x38: {  	s10 =	sld [smem:$0x3FBA]  }
0x39: {  	_ = 	snop;
	(pc) =	sbr.ind lr, $3  }
0x3a: {  	_ = 	snop  }
0x3b: {  	_ = 	snop  }
0x3c: {  	p2 =	seq.s32 s10, $0x1;
	s10 =	sld [smem:$0x3FB9]  }
0x3d: {  	_ =	shalt  }
0x3e: {  	_ =	shalt  }
0x3f: {  	_ =	shalt  }
0x40: {  	_ =	shalt  }
0x41: {  	_ =	shalt  }
0x42: {  	_ =	shalt  }
0x43: {  	_ =	shalt  }
0x44: {  	_ =	shalt  }
0x45: {  	_ =	shalt  }
0x46: {  	_ =	shalt  }
0x47: {  	_ =	shalt  }
0x48: {  	_ =	shalt  }
0x49: {  	_ =	shalt  }
0x4a: {  	_ =	shalt  }
0x4b: {  	_ =	shalt  }
0x4c: {  	_ =	shalt  }
0x4d: {  	_ =	shalt  }
0x4e: {  	_ =	shalt  }
0x4f: {  	_ =	shalt  }
0x50: {  	_ =	shalt  }
0x51: {  	_ =	shalt  }
0x52: {  	_ =	shalt  }
0x53: {  	_ =	shalt  }
0x54: {  	_ =	shalt  }
0x55: {  	_ =	shalt  }
0x56: {  	_ =	shalt  }
0x57: {  	_ =	shalt  }
0x58: {  	_ =	shalt  }
0x59: {  	_ =	shalt  }
0x5a: {  	_ =	shalt  }
0x5b: {  	_ =	shalt  }
0x5c: {  	_ =	shalt  }
0x5d: {  	_ =	shalt  }
0x5e: {  	_ =	shalt  }
0x5f: {  	_ =	shalt  }
0x60: {  	_ =	shalt  }
0x61: {  	_ =	shalt  }
0x62: {  	_ =	shalt  }
0x63: {  	_ =	shalt  }
0x64: {  	_ =	shalt  }
0x65: {  	_ =	shalt  }
0x66: {  	_ =	shalt  }
0x67: {  	_ =	shalt  }
0x68: {  	_ =	shalt  }
0x69: {  	_ =	shalt  }
0x6a: {  	_ =	shalt  }
0x6b: {  	_ =	shalt  }
0x6c: {  	_ =	shalt  }
0x6d: {  	_ =	shalt  }
0x6e: {  	_ =	shalt  }
0x6f: {  	_ =	shalt  }
0x70: {  	_ =	shalt  }
0x71: {  	_ =	shalt  }
0x72: {  	_ =	shalt  }
0x73: {  	_ =	shalt  }
0x74: {  	_ =	shalt  }
0x75: {  	_ =	shalt  }
0x76: {  	_ =	shalt  }
0x77: {  	_ =	shalt  }
0x78: {  	_ =	shalt  }
0x79: {  	_ =	shalt  }
0x7a: {  	_ =	shalt  }
0x7b: {  	_ =	shalt  }
0x7c: {  	_ =	shalt  }
0x7d: {  	_ =	shalt  }
0x7e: {  	_ =	shalt  }
0x7f: {  	_ =	shalt  }
0x80: {  	_ =	shalt  }
0x81: {  	_ =	shalt  }
0x82: {  	_ =	shalt  }
0x83: {  	_ =	shalt  }
0x84: {  	_ =	shalt  }
0x85: {  	_ =	shalt  }
0x86: {  	_ =	shalt  }
0x87: {  	_ =	shalt  }
.Lfunc_end0:
.L_simem_size_0:
called_computation_lowered:
.L_overlay_start_0:
0x88: {  	s2 =	sld [smem:$0x3FD9]  }
0x89: {  	s3 =	sld [smem:$0x3FFE];
	_ =	sdelay $0x1  }
0x8a: {  	s1 =	srdreg.scid  }
0x8b: {  	s0 =	sand.u32 $0x1, s1  }
0x8c: {  	s17 =	sshll.u32 s0, $0xA;
	s2 =	sadd.s32 s3, s2  }
0x8d: {  	s2 =	sadd.s32 s2, s17  }
0x8e: {  	[smem:$0x3FC5] =	sst s2  }
0x8f: {  	_ = 	snop  }
0x90: {  	s2 =	sld [smem:$0x3FC9]  }
0x91: {  	s18 =	sld [smem:$0x3FD0];
	(tm) =	ssettm $0x1  }
0x92: {  	s4 =	sld [smem:$0x3FFB];
	_ =	sdelay $0x3  }
0x93: {  	_ =	strace s4  }
0x94: {  	s4 =	sld [smem:$0x3FFC];
	_ =	sdelay $0x3  }
0x95: {  	_ =	strace s4  }
0x96: {  	s4 =	sld [smem:$0x3FFD];
	_ =	sdelay $0x3  }
0x97: {  	_ =	strace s4  }
0x98: {  	_ =	strace $0x8FFFFFFF  }
0x99: {  	s19 =	sld [smem:$0x3FDB];
	_ =	sdelay $0x1  }
0x9a: {  	s5 =	simm.s32 $_scs_section_size  }
0x9b: {  	s6 =	simm.s32 $_size__tile_overlayer_lowered;
	s7 =	simm.s32 $_tile_overlayer_lowered  }
0x9c: {  	s22 =	simm.s32 $0x1BFF;
	s21 =	sshll.u32 s7, $0x1;
	s4 =	sadd.s32 s5, s19  }
0x9d: {  	s8 =	simm.s32 $0x0;
	s20 =	sshll.u32 s6, $0x1;
	s6 =	sadd.s32 s21, s4  }
0x9e: {  	[timem:s8], [sflag:s22] =	dma.local [hbm:s6], s20  }
0x9f: {  	_ =	swait.ge [sflag:s22], s20  }
0xa0: {  	s5 =	ssub.s32 $0x0, s20;
	[sflag:s22] =	ssyncset.done $0x0  }
0xa1: {  	[sflag:s22] =	ssyncadd.s32 s5;
	_ =	sdelay $0x1  }
0xa2: {  	s23 =	simm.s32 $0x1B8B  }
0xa3: {  	_ =	swait.ge [sflag:s23], $0x1  }
0xa4: {  	[sflag:s23] =	ssyncset.done $0x0  }
0xa5: {  	s25 =	simm.s32 $0x1B8E;
	s24 =	sld [smem:$0x3FFE];
	[sflag:s23] =	ssyncadd.s32 $0xFFFFFFFF  }
0xa6: {  	s26 =	simm.s32 $execute0_lowered;
	[smem:$0x3FD2] =	sst s25  }
0xa7: {  	s6 =	sshll.u32 s26, $0x1;
	_ =	strace $0x80000046;
	[dreg:$0x1] =	wrdreg $0xFFFFFFFF  }
0xa8: {  	s28 =	simm.s32 $_size_execute0_lowered;
	s4 =	sadd.s32 s4, s6;
	[dreg:$0x0] =	wrdreg $0x0  }
0xa9: {  	s6 =	sshll.u32 s28, $0x1;
	[dreg:$0x2] =	wrdreg s4  }
0xaa: {  	[dreg:$0x3] =	wrdreg s6  }
0xab: {  	[dreg:$0x4] =	wrdreg $0xC0  }
0xac: {  	_ =	task [dreg:s8], $0x5FFFF  }
0xad: {  	[dreg:$0x1] =	wrdreg $0xFFFFFFFF  }
0xae: {  	[dreg:$0x0] =	wrdreg $0x60  }
0xaf: {  	[dreg:$0x2] =	wrdreg s2  }
0xb0: {  	[dreg:$0x3] =	wrdreg s24  }
0xb1: {  	[dreg:$0x4] =	wrdreg s18  }
0xb2: {  	[dreg:$0x5] =	wrdreg $0x9  }
0xb3: {  	_ =	task.clear_ibuf [dreg:s8], $0x6FFFF;
	_ =	strace $0x90000046  }
0xb4: {  	s29 =	simm.s32 $0x9;
	_ =	strace $0x80000048  }
0xb5: {  	_ =	swait.ge [sflag:s29], $0x1  }
0xb6: {  	[sflag:s29] =	ssyncadd.s32 $0xFFFFFFFF  }
0xb7: {  	_ =	strace $0x90000048  }
0xb8: {  	_ =	sfence  }
0xb9: {  	s30 =	sld [smem:$0x0];
	_ =	sdelay $0x2  }
0xba: {  	s31 =	sshll.u32 s1, $0xD;
	s1 =	sshrl.u32 s1, $0x2  }
0xbb: {  	s3 =	sand.u32 $0x4000, s31;
	s1 =	sadd.s32 s1, s30  }
0xbc: {  	s0 =	sor.u32 s3, s0;
	s1 =	sshll.u32 s1, $0x11  }
0xbd: {  	s0 =	sor.u32 s1, s0  }
0xbe: {  	s0 =	sadd.s32 $0x8F2B, s0  }
0xbf: {  	[sflag:s0] =	ssyncadd.remote.s32 $0x1  }
0xc0: {  	_ =	sfence.sel $0xFFFF  }
0xc1: {  	[dreg:$0x0] =	wrdreg $0xFFFFFFFF;
	(pc) =	sbr.abs _section_cstart, $3  }
0xc2: {  	[dreg:$0x1] =	wrdreg $0xFFFFFFFF  }
0xc3: {  	_ =	task.clear_ibuf [dreg:s8], $0x2FFFF;
	_ =	strace $0x9FFFFFFF  }
0xc4: {  	(tm) =	ssettm $0x7FFFFFFF  }
0xc5: {  	_ =	shalt  }
tec
execute0_lowered:
.L_overlay_start_1:
0x0: {  	(tag) =	ssettag $0x1  }
0x1: {  	s1 =	rddreg [dreg:$0x0]  }
0x2: {  	s7 =	rddreg [dreg:$0x1]  }
0x3: {  	s2 =	rddreg [dreg:$0x2]  }
0x4: {  	s0 =	rddreg [dreg:$0x3];
	s4 =	simm.s32 $0x0;
	s5 =	srdreg.scid  }
0x5: {  	s3 =	stileid.u32;
	s12 =	simm.s32 $0x5;
	s13 =	simm.s32 $0x2400  }
0x6: {  	s14 =	simm.s32 $0x1;
	s15 =	simm.s32 $0x2;
	s16 =	simm.s32 $0x4  }
0x7: {  	s17 =	simm.s32 $0x3;
	s18 =	simm.s32 $0x0;
	[smem:$0x7FF] =	sst s4  }
0x8: {  	s6 =	sand.u32 $0x1, s5;
	s9 =	sshll.u32 s3, $0x14;
	s5 =	sadd.s32 $0xC00, s7  }
0x9: {  	s7 =	sadd.s32 $0x600, s7;
	s8 =	sshll.u32 s6, $0x18;
	s10 =	ssub.s32 $0x2, s6  }
0xa: {  	_ =	strace $0x80000047;
	s6 =	sor.u32 s9, s8;
	s31 =	sshrl.u32 s10, $0x1  }
0xb: {  	s9 =	sshrl.u32 s6, $0x3;
	s11 =	ssub.s32 s10, s31;
	s10 =	sor.u32 $0x8000, s6  }
0xc: {  	s8 =	sadd.s32 s1, s9;
	s9 =	sor.u32 $0x4000, s6;
	s11 =	smax.u32 s11, $0x1  }
.LBB2_1:
0xd: {  	[tilespmem:s4], [sflag:$0x5] =	stream.linear.gather [hbm4b:s7+s4], $0x2400, $0x38;
	[tilespmem:$0x12480] =	vst v63  }
0xe: {  	_ =	swait.ge [sflag:s12], $0x2400  }
0xf: {  	[sflag:s12] =	ssyncset.done $0x0  }
0x10: {  	[sflag:s12] =	ssyncadd.s32 $0xFFFFDC00  }
0x11: {  	[tilespmem:s13], [sflag:$0x5] =	stream.linear.gather [hbm4b:s5+s4], $0x80, $0x38;
	[tilespmem:$0x12480] =	vst v63  }
0x12: {  	_ =	swait.ge [sflag:s12], $0x80  }
0x13: {  	[sflag:s12] =	ssyncset.done $0x0  }
0x14: {  	s19 =	simm.s32 $0x2480;
	[sflag:s12] =	ssyncadd.s32 $0xFFFFFF80  }
0x15: {  	s20 =	simm.s32 $0x10;
	s22 =	sadd.s32 $0x0, s8;
	s21 =	simm.s32 $0x2580;
	v0 =	vld [tilespmem:$0x2400]  }
.LBB2_2:
0x16: {  	[tilespmem:s19], [sflag:$0x1] =	stream.linear.gather [hbm4b:s22+s4], $0x80, $0x38;
	[tilespmem:$0x12480] =	vst v63  }
0x17: {  	s22 =	smov.u32 s20;
	s19 =	smov.u32 s21;
	p0 =	sne.s32 s20, $0x7F0  }
.Ltmp0:
0x18: {  	s20 =	sadd.s32 $0x10, s20;
	(pc) =	sbr.rel @p0 .LBB2_2-.Ltmp0, $2  }
0x19: {  	_ =	sdelay $0x2  }
0x1a: {  	s21 =	sadd.s32 $0x100, s21;
	s22 =	sadd.s32 s22, s8  }
0x1b: {  	v0 =	vand.u32 $0x7FFFFFFF, v0  }
0x1c: {  	v0 =	vadd.f32 $9.999999930e-09, v0;
	_ =	sdelay $0x1  }
0x1d: {  	(erf) = vrcp.f32 v0;
	_ =	sdelay $0x7  }
0x1e: {  	[tilespmem:s19], [sflag:$0x1] =	stream.linear.gather [hbm4b:s22+s4], $0x80, $0x38;
	[tilespmem:$0x12480] =	vst v63  }
0x1f: {  	s19 =	simm.s32 $0x0;
	v0 =	vpop (erf)  }
.LBB2_4:
0x20: {  	s21 =	sshll.u32 s19, $0xF  }
0x21: {  	s20 =	sadd.s32 s9, s21  }
0x22: {  	s20 =	sshrl.u32 s20, $0x3  }
0x23: {  	s23 =	simm.s32 $0x2500;
	s22 =	sadd.s32 s1, s20  }
0x24: {  	s24 =	simm.s32 $0x10;
	s25 =	simm.s32 $0x2600;
	s26 =	sadd.s32 $0x0, s22  }
.LBB2_5:
0x25: {  	[tilespmem:s23], [sflag:$0x2] =	stream.linear.gather [hbm4b:s26+s4], $0x80, $0x38;
	[tilespmem:$0x12480] =	vst v63  }
0x26: {  	s26 =	smov.u32 s24;
	s23 =	smov.u32 s25;
	p0 =	sne.s32 s24, $0x7F0  }
.Ltmp1:
0x27: {  	s24 =	sadd.s32 $0x10, s24;
	(pc) =	sbr.rel @p0 .LBB2_5-.Ltmp1, $2  }
0x28: {  	_ =	sdelay $0x2  }
0x29: {  	s25 =	sadd.s32 $0x100, s25;
	s26 =	sadd.s32 s26, s22  }
0x2a: {  	[tilespmem:s23], [sflag:$0x2] =	stream.linear.gather [hbm4b:s26+s4], $0x80, $0x38;
	[tilespmem:$0x12480] =	vst v63  }
0x2b: {  	_ =	swait.ge [sflag:s14], $0x4000  }
0x2c: {  	p0 =	seq.s32 s19, $0x0;
	[sflag:s14] =	ssyncset.done $0x0  }
0x2d: {  	s22 =	simm.s32 @!p0 $0x3;
	[sflag:s14] =	ssyncadd.s32 $0xFFFFC000  }
0x2e: {  	_ =	swait.ge @!p0 [sflag:s22], $0x4000  }
0x2f: {  	[sflag:s22] =	ssyncset.done @!p0 $0x0  }
0x30: {  	s30 =	simm.s32 $0x24C0;
	[sflag:s22] =	ssyncadd.s32 @!p0 $0xFFFFC000  }
0x31: {  	v1 =	vld [tilespmem:s30+$0x30]  }
0x32: {  	v2 =	vld [tilespmem:s30+$0xFFFFFFD0]  }
0x33: {  	v3 =	vld [tilespmem:s30+$0xFFFFFFE0]  }
0x34: {  	v4 =	vld [tilespmem:s30+$0xFFFFFFC0]  }
0x35: {  	v5 =	vld [tilespmem:s30+$0xFFFFFFF0]  }
0x36: {  	v6 =	vld [tilespmem:s30+$0x0]  }
0x37: {  	v9 =	vld [tilespmem:s30+$0x10]  }
0x38: {  	s31 =	simm.s32 $0x25C0;
	v15 =	vld [tilespmem:s30+$0x20]  }
0x39: {  	v46 =	vld [tilespmem:s31+$0x10]  }
0x3a: {  	v7 =	vand.u32 $0x7FFFFFFF, v1;
	v8 =	vand.u32 $0x7FFFFFFF, v2  }
0x3b: {  	v12 =	vand.u32 $0x7FFFFFFF, v3;
	v14 =	vand.u32 $0x7FFFFFFF, v4;
	v10 =	vmul.f32 v7, v0  }
0x3c: {  	v16 =	vand.u32 $0x7FFFFFFF, v5;
	v19 =	vand.u32 $0x7FFFFFFF, v6;
	v22 =	vand.u32 $0x7FFFFFFF, v9  }
0x3d: {  	v25 =	vand.u32 $0x7FFFFFFF, v15;
	v17 =	vmul.f32 v14, v0;
	v10 =	vmax.f32 v10, $2.328306440e-10  }
0x3e: {  	v1 =	vand.u32 $0x80000000, v1;
	v38 =	vand.u32 $0x7FFFFFFF, v46;
	v10 =	vshrl.u32 v10, $0xF  }
0x3f: {  	v11 =	vmul.f32 v8, v0;
	v17 =	vmax.f32 v17, $2.328306440e-10;
	v21 =	vadd.s32 $0xFFFFA100, v10  }
0x40: {  	v8 =	vadd.f32 v8, v8;
	v17 =	vshrl.u32 v17, $0xF;
	v10 =	vadd.s32 $0xFFFFA101, v10  }
0x41: {  	v13 =	vmul.f32 v12, v0;
	v11 =	vmax.f32 v11, $2.328306440e-10;
	v24 =	vadd.s32 $0xFFFFA100, v17  }
0x42: {  	v26 =	vmul.f32 v25, v0;
	v11 =	vshrl.u32 v11, $0xF;
	v17 =	vadd.s32 $0xFFFFA101, v17  }
0x43: {  	v18 =	vmul.f32 v16, v0;
	v13 =	vmax.f32 v13, $2.328306440e-10;
	v27 =	vadd.s32 $0xFFFFA100, v11  }
0x44: {  	v26 =	vmax.f32 v26, $2.328306440e-10;
	v13 =	vshrl.u32 v13, $0xF;
	v11 =	vadd.s32 $0xFFFFA101, v11;
	v21 =	vld.idx.msk [tilespmem:v21+s4+$0x0], $0xffff  }
0x45: {  	v20 =	vmul.f32 v19, v0;
	v26 =	vshrl.u32 v26, $0xF;
	v28 =	vadd.s32 $0xFFFFA100, v13;
	v10 =	vld.idx.msk [tilespmem:v10+s4+$0x0], $0xffff  }
0x46: {  	v23 =	vmul.f32 v22, v0;
	v7 =	vadd.f32 v7, v7;
	v32 =	vadd.s32 $0xFFFFA100, v26;
	v24 =	vld.idx.msk [tilespmem:v24+s4+$0x0], $0xffff  }
0x47: {  	v14 =	vadd.f32 v14, v14;
	v18 =	vmax.f32 v18, $2.328306440e-10;
	v26 =	vadd.s32 $0xFFFFA101, v26;
	v17 =	vld.idx.msk [tilespmem:v17+s4+$0x0], $0xffff  }
0x48: {  	v12 =	vadd.f32 v12, v12;
	v18 =	vshrl.u32 v18, $0xF;
	v13 =	vadd.s32 $0xFFFFA101, v13;
	v27 =	vld.idx.msk [tilespmem:v27+s4+$0x0], $0xffff  }
0x49: {  	v19 =	vadd.f32 v19, v19;
	v29 =	vadd.s32 $0xFFFFA100, v18;
	v18 =	vadd.s32 $0xFFFFA101, v18;
	v11 =	vld.idx.msk [tilespmem:v11+s4+$0x0], $0xffff  }
0x4a: {  	v35 =	vadd.f32 v25, v25;
	v25 =	vand.u32 $0x80000000, v2;
	v2 =	vand.u32 $0x80000000, v3;
	v28 =	vld.idx.msk [tilespmem:v28+s4+$0x0], $0xffff  }
0x4b: {  	v3 =	vand.u32 $0x80000000, v9;
	v62 =	vmul.f32 v38, v0;
	v20 =	vmax.f32 v20, $2.328306440e-10;
	v48 =	vld.idx.msk [tilespmem:v32+s4+$0x0], $0xffff  }
0x4c: {  	v23 =	vmax.f32 v23, $2.328306440e-10;
	v20 =	vshrl.u32 v20, $0xF;
	v51 =	vld.idx.msk [tilespmem:v26+s4+$0x0], $0xffff;
	v33 =	vadd.f32 v10, v21  }
0x4d: {  	v23 =	vshrl.u32 v23, $0xF;
	v30 =	vadd.s32 $0xFFFFA100, v20;
	v20 =	vadd.s32 $0xFFFFA101, v20;
	v13 =	vld.idx.msk [tilespmem:v13+s4+$0x0], $0xffff  }
0x4e: {  	v31 =	vadd.s32 $0xFFFFA100, v23;
	v23 =	vadd.s32 $0xFFFFA101, v23;
	v18 =	vld.idx.msk [tilespmem:v18+s4+$0x0], $0xffff;
	vm0 =	vgt.f32 v7, v33  }
0x4f: {  	v7 =	vadd.f32 v16, v16;
	v16 =	vld.idx.msk [tilespmem:v29+s4+$0x0], $0xffff;
	v33 =	vmax.f32 v62, $2.328306440e-10;
	v10 =	vsel vm0, v10, v21  }
0x50: {  	v34 =	vld [tilespmem:s31+$0x30];
	v21 =	vadd.f32 v22, v22;
	v22 =	vor.u32 v10, v1;
	v1 =	vadd.f32 v17, v24  }
0x51: {  	v43 =	vld [tilespmem:s31+$0xFFFFFFF0];
	v61 =	vadd.f32 v51, v48;
	v33 =	vshrl.u32 v33, $0xF;
	v10 =	vand.u32 $0x80000000, v4  }
0x52: {  	v20 =	vld.idx.msk [tilespmem:v20+s4+$0x0], $0xffff;
	v4 =	vand.u32 $0x80000000, v5;
	vm0 =	vgt.f32 v14, v1;
	v14 =	vadd.f32 v11, v27  }
0x53: {  	v29 =	vld.idx.msk [tilespmem:v30+s4+$0x0], $0xffff;
	v5 =	vand.u32 $0x80000000, v6;
	v1 =	vand.u32 $0x80000000, v15;
	v6 =	vsel vm0, v17, v24  }
0x54: {  	v45 =	vld [tilespmem:s31+$0x0];
	v9 =	vadd.f32 v18, v16;
	vm0 =	vgt.f32 v8, v14;
	v8 =	vadd.f32 v13, v28  }
0x55: {  	v24 =	vld [tilespmem:s31+$0xFFFFFFD0];
	v36 =	vor.u32 v6, v10;
	v10 =	vand.u32 $0x7FFFFFFF, v34;
	v34 =	vand.u32 $0x80000000, v34  }
0x56: {  	v31 =	vld.idx.msk [tilespmem:v31+s4+$0x0], $0xffff;
	v6 =	vsel vm0, v11, v27;
	v11 =	vmul.f32 v10, v0;
	v27 =	vand.u32 $0x7FFFFFFF, v43  }
0x57: {  	v23 =	vld.idx.msk [tilespmem:v23+s4+$0x0], $0xffff;
	v10 =	vadd.f32 v10, v10;
	v44 =	vor.u32 v6, v25;
	vm0 =	vgt.f32 v12, v8  }
0x58: {  	v12 =	vadd.f32 v20, v29;
	v17 =	vmul.f32 v27, v0;
	v8 =	vsel vm0, v13, v28;
	v13 =	vld [tilespmem:s31+$0xFFFFFFC0]  }
0x59: {  	v14 =	vld [tilespmem:s31+$0xFFFFFFE0];
	vm0 =	vgt.f32 v7, v9;
	v11 =	vmax.f32 v11, $2.328306440e-10;
	v28 =	vand.u32 $0x7FFFFFFF, v45  }
0x5a: {  	v9 =	vand.u32 $0x7FFFFFFF, v24;
	v7 =	vsel vm0, v18, v16;
	v11 =	vshrl.u32 v11, $0xF  }
0x5b: {  	v30 =	vmul.f32 v28, v0;
	v17 =	vmax.f32 v17, $2.328306440e-10;
	v18 =	vadd.s32 $0xFFFFA100, v11  }
0x5c: {  	vm0 =	vgt.f32 v19, v12;
	v19 =	vadd.f32 v23, v31;
	v12 =	vadd.f32 v28, v28  }
0x5d: {  	v15 =	vmul.f32 v9, v0;
	v9 =	vadd.f32 v9, v9;
	v40 =	vand.u32 $0x7FFFFFFF, v13  }
0x5e: {  	v6 =	vld [tilespmem:s31+$0x20];
	v25 =	vand.u32 $0x7FFFFFFF, v14;
	v11 =	vadd.s32 $0xFFFFA101, v11;
	v41 =	vmul.f32 v40, v0  }
0x5f: {  	v17 =	vshrl.u32 v17, $0xF;
	v16 =	vmul.f32 v25, v0;
	v30 =	vmax.f32 v30, $2.328306440e-10  }
0x60: {  	v54 =	vadd.s32 $0xFFFFA100, v17;
	v55 =	vadd.s32 $0xFFFFA101, v17;
	v42 =	vld.idx.msk [tilespmem:v18+s4+$0x0], $0xffff;
	v18 =	vmax.f32 v41, $2.328306440e-10  }
0x61: {  	v17 =	vadd.s32 $0xFFFFA101, v33;
	v26 =	vadd.f32 v25, v25;
	v18 =	vshrl.u32 v18, $0xF  }
0x62: {  	v25 =	vadd.f32 v27, v27;
	v15 =	vmax.f32 v15, $2.328306440e-10;
	v63 =	vadd.s32 $0xFFFFA100, v18  }
0x63: {  	v39 =	vand.u32 $0x7FFFFFFF, v6;
	v15 =	vshrl.u32 v15, $0xF;
	v11 =	vld.idx.msk [tilespmem:v11+s4+$0x0], $0xffff;
	v60 =	vadd.s32 $0xFFFFA101, v18  }
0x64: {  	v30 =	vshrl.u32 v30, $0xF;
	v16 =	vmax.f32 v16, $2.328306440e-10;
	v49 =	vadd.s32 $0xFFFFA100, v15  }
0x65: {  	v37 =	vmul.f32 v39, v0;
	v16 =	vshrl.u32 v16, $0xF;
	v50 =	vadd.s32 $0xFFFFA101, v15  }
0x66: {  	v56 =	vadd.s32 $0xFFFFA100, v30;
	v57 =	vadd.s32 $0xFFFFA101, v30;
	v52 =	vadd.s32 $0xFFFFA100, v16;
	v28 =	vld.idx.msk [tilespmem:v54+s4+$0x0], $0xffff  }
0x67: {  	v62 =	vadd.f32 v40, v40;
	v37 =	vmax.f32 v37, $2.328306440e-10;
	v53 =	vadd.s32 $0xFFFFA101, v16;
	v32 =	vld.idx.msk [tilespmem:v63+s4+$0x0], $0xffff  }
0x68: {  	v40 =	vsel vm0, v20, v29;
	v47 =	vshrl.u32 v37, $0xF;
	v15 =	vadd.f32 v11, v42;
	v37 =	vld.idx.msk [tilespmem:v60+s4+$0x0], $0xffff  }
0x69: {  	vm0 =	vgt.f32 v35, v61;
	v35 =	vand.u32 $0x80000000, v43;
	v29 =	vand.u32 $0x80000000, v45;
	v30 =	vld.idx.msk [tilespmem:v49+s4+$0x0], $0xffff  }
0x6a: {  	s23 =	simm.s32 $0xA4C0;
	v41 =	vand.u32 $0x80000000, v24;
	v18 =	vadd.s32 $0xFFFFA100, v33;
	v33 =	vld.idx.msk [tilespmem:v50+s4+$0x0], $0xffff;
	vm1 =	vgt.f32 v10, v15  }
0x6b: {  	[tilespmem:s23+$0x30] =	vst v22;
	v16 =	vadd.s32 $0xFFFFA100, v47;
	v27 =	vld.idx.msk [tilespmem:v52+s4+$0x0], $0xffff;
	v15 =	vadd.s32 $0xFFFFA101, v47;
	v11 =	vsel vm1, v11, v42  }
0x6c: {  	[tilespmem:s23+$0xFFFFFFC0] =	vst v36;
	v10 =	vadd.f32 v38, v38;
	v42 =	vand.u32 $0x80000000, v13;
	v63 =	vor.u32 v11, v34;
	v34 =	vld.idx.msk [tilespmem:v53+s4+$0x0], $0xffff  }
0x6d: {  	[tilespmem:s23+$0xFFFFFFD0] =	vst v44;
	v36 =	vld.idx.msk [tilespmem:v55+s4+$0x0], $0xffff;
	vm1 =	vgt.f32 v21, v19;
	v19 =	vand.u32 $0x80000000, v14;
	v20 =	vadd.f32 v37, v32  }
0x6e: {  	s22 =	simm.s32 $0xA5C0;
	v13 =	vld.idx.msk [tilespmem:v56+s4+$0x0], $0xffff;
	v11 =	vadd.f32 v39, v39;
	v38 =	vsel vm1, v23, v31;
	v39 =	vsel vm0, v51, v48  }
0x6f: {  	s24 =	sor.u32 s6, s21;
	s25 =	simm.s32 $0x8;
	s26 =	simm.s32 $0x26C0;
	v14 =	vld.idx.msk [tilespmem:v57+s4+$0x0], $0xffff;
	v31 =	vand.u32 $0x80000000, v46;
	[tilespmem:s22+$0x30] =	vst v63;
	vm0 =	vgt.f32 v62, v20;
	v20 =	vadd.f32 v33, v30  }
.LBB2_7:
0x70: {  	v24 =	vld [tilespmem:s26+$0x30];
	v21 =	vsel vm0, v37, v32;
	v6 =	vand.u32 $0x80000000, v6;
	v8 =	vor.u32 v8, v2;
	v2 =	vmovc v19  }
0x71: {  	s25 =	sadd.s32 $0x8, s25;
	v19 =	vld [tilespmem:s26+$0xFFFFFFD0];
	v21 =	vor.u32 v21, v42;
	vm0 =	vgt.f32 v9, v20;
	v9 =	vadd.f32 v34, v27;
	[tilespmem:s23+$0xFFFFFFE0] =	vst v8  }
0x72: {  	v4 =	vor.u32 v7, v4;
	v5 =	vor.u32 v40, v5;
	p1 =	slt.u32 s25, $0x3F8;
	v20 =	vld [tilespmem:s26+$0xFFFFFFE0];
	[tilespmem:s22+$0xFFFFFFC0] =	vst v21;
	v8 =	vsel vm0, v33, v30  }
0x73: {  	v21 =	vld [tilespmem:s26+$0xFFFFFFF0];
	v7 =	vor.u32 v8, v41;
	vm0 =	vgt.f32 v26, v9;
	v9 =	vadd.f32 v36, v28;
	[tilespmem:s23+$0xFFFFFFF0] =	vst v4  }
0x74: {  	v3 =	vor.u32 v38, v3;
	v26 =	vor.u32 v39, v1;
	v23 =	vld [tilespmem:s26+$0x0];
	[tilespmem:s22+$0xFFFFFFD0] =	vst v7;
	v8 =	vsel vm0, v34, v27  }
0x75: {  	v1 =	vmovc v6;
	v22 =	vld [tilespmem:s26+$0x10];
	v27 =	vand.u32 $0x7FFFFFFF, v24;
	vm0 =	vgt.f32 v25, v9;
	v25 =	vadd.f32 v14, v13;
	[tilespmem:s23+$0x0] =	vst v5  }
0x76: {  	v4 =	vmovc v35;
	v34 =	vand.u32 $0x7FFFFFFF, v19;
	v6 =	vld [tilespmem:s26+$0x20];
	v30 =	vmul.f32 v27, v0;
	v7 =	vsel vm0, v36, v28;
	[tilespmem:s23+$0x10] =	vst v3  }
0x77: {  	v5 =	vmovc v29;
	v28 =	vld [tilespmem:s26+$0xFFFFFFC0];
	v32 =	vmul.f32 v34, v0;
	v9 =	vadd.f32 v34, v34;
	v33 =	vand.u32 $0x7FFFFFFF, v20;
	[tilespmem:s23+$0x20] =	vst v26;
	s23 =	smov.u32 s22  }
0x78: {  	v3 =	vmovc v31;
	v26 =	vmul.f32 v33, v0;
	v29 =	vand.u32 $0x7FFFFFFF, v21;
	v30 =	vmax.f32 v30, $2.328306440e-10;
	v35 =	vld.idx.msk [tilespmem:v18+s4+$0x0], $0xffff  }
0x79: {  	v18 =	vmul.f32 v29, v0;
	v31 =	vand.u32 $0x7FFFFFFF, v23;
	v30 =	vshrl.u32 v30, $0xF;
	v36 =	vld.idx.msk [tilespmem:v17+s4+$0x0], $0xffff  }
0x7a: {  	v17 =	vmul.f32 v31, v0;
	v34 =	vand.u32 $0x7FFFFFFF, v22;
	v37 =	vadd.s32 $0xFFFFA100, v30;
	v39 =	vld.idx.msk [tilespmem:v16+s4+$0x0], $0xffff  }
0x7b: {  	v30 =	vadd.s32 $0xFFFFA101, v30;
	v16 =	vmul.f32 v34, v0;
	v38 =	vand.u32 $0x7FFFFFFF, v6;
	v43 =	vld.idx.msk [tilespmem:v15+s4+$0x0], $0xffff  }
0x7c: {  	v15 =	vmax.f32 v32, $2.328306440e-10;
	v40 =	vand.u32 $0x7FFFFFFF, v28;
	v32 =	vmul.f32 v38, v0  }
0x7d: {  	v26 =	vmax.f32 v26, $2.328306440e-10;
	v18 =	vmax.f32 v18, $2.328306440e-10;
	v41 =	vmul.f32 v40, v0  }
0x7e: {  	v17 =	vmax.f32 v17, $2.328306440e-10;
	v16 =	vmax.f32 v16, $2.328306440e-10;
	v32 =	vmax.f32 v32, $2.328306440e-10  }
0x7f: {  	v26 =	vshrl.u32 v26, $0xF;
	v15 =	vshrl.u32 v15, $0xF;
	v41 =	vmax.f32 v41, $2.328306440e-10;
	v42 =	vld.idx.msk [tilespmem:v37+s4+$0x0], $0xffff  }
0x80: {  	v18 =	vshrl.u32 v18, $0xF;
	v17 =	vshrl.u32 v17, $0xF;
	v37 =	vshrl.u32 v41, $0xF;
	v41 =	vld.idx.msk [tilespmem:v30+s4+$0x0], $0xffff  }
0x81: {  	v16 =	vshrl.u32 v16, $0xF;
	v44 =	vshrl.u32 v32, $0xF;
	v30 =	vadd.s32 $0xFFFFA100, v37  }
0x82: {  	v45 =	vadd.s32 $0xFFFFA100, v15;
	v46 =	vadd.s32 $0xFFFFA101, v15;
	v37 =	vadd.s32 $0xFFFFA101, v37  }
0x83: {  	v47 =	vadd.s32 $0xFFFFA100, v26;
	v48 =	vadd.s32 $0xFFFFA101, v26;
	v49 =	vadd.s32 $0xFFFFA100, v18  }
0x84: {  	v50 =	vadd.s32 $0xFFFFA101, v18;
	v51 =	vadd.s32 $0xFFFFA100, v17;
	v52 =	vadd.s32 $0xFFFFA101, v17  }
0x85: {  	v18 =	vadd.s32 $0xFFFFA100, v16;
	v17 =	vadd.s32 $0xFFFFA101, v16;
	v16 =	vadd.s32 $0xFFFFA100, v44  }
0x86: {  	v27 =	vadd.f32 v27, v27;
	v15 =	vadd.s32 $0xFFFFA101, v44;
	v44 =	vadd.f32 v41, v42;
	v32 =	vld.idx.msk [tilespmem:v30+s4+$0x0], $0xffff  }
0x87: {  	vm0 =	vgt.f32 v12, v25;
	v53 =	vadd.f32 v36, v35;
	v54 =	vadd.f32 v43, v39;
	v37 =	vld.idx.msk [tilespmem:v37+s4+$0x0], $0xffff  }
0x88: {  	v26 =	vadd.f32 v33, v33;
	v55 =	vadd.f32 v40, v40;
	vm1 =	vgt.f32 v27, v44;
	v30 =	vld.idx.msk [tilespmem:v45+s4+$0x0], $0xffff  }
0x89: {  	v24 =	vand.u32 $0x80000000, v24;
	v25 =	vadd.f32 v29, v29;
	v29 =	vsel vm1, v41, v42;
	v33 =	vld.idx.msk [tilespmem:v46+s4+$0x0], $0xffff  }
0x8a: {  	s22 =	sadd.s32 $0x100, s22;
	v12 =	vadd.f32 v31, v31;
	v31 =	vadd.f32 v34, v34;
	v24 =	vor.u32 v29, v24;
	v27 =	vld.idx.msk [tilespmem:v47+s4+$0x0], $0xffff  }
.Ltmp2:
0x8b: {  	v44 =	vadd.f32 v38, v38;
	v42 =	vand.u32 $0x80000000, v28;
	vm1 =	vgt.f32 v10, v53;
	v34 =	vld.idx.msk [tilespmem:v48+s4+$0x0], $0xffff;
	[tilespmem:s22+$0x30] =	vst v24;
	(pc) =	sbr.rel @p1 .LBB2_7-.Ltmp2, $4  }
0x8c: {  	v40 =	vsel vm0, v14, v13;
	vm0 =	vgt.f32 v11, v54;
	v38 =	vsel vm1, v36, v35;
	v28 =	vld.idx.msk [tilespmem:v49+s4+$0x0], $0xffff  }
0x8d: {  	v39 =	vsel vm0, v43, v39;
	v41 =	vand.u32 $0x80000000, v19;
	v10 =	vmovc v31;
	v14 =	vadd.f32 v37, v32;
	v36 =	vld.idx.msk [tilespmem:v50+s4+$0x0], $0xffff  }
0x8e: {  	v19 =	vand.u32 $0x80000000, v20;
	v35 =	vand.u32 $0x80000000, v21;
	v29 =	vand.u32 $0x80000000, v23;
	v11 =	vmovc v44;
	v13 =	vld.idx.msk [tilespmem:v51+s4+$0x0], $0xffff  }
0x8f: {  	s26 =	sadd.s32 $0x100, s26;
	v31 =	vand.u32 $0x80000000, v22;
	vm0 =	vgt.f32 v55, v14;
	v20 =	vadd.f32 v33, v30;
	v14 =	vld.idx.msk [tilespmem:v52+s4+$0x0], $0xffff  }
0x90: {  	_ =	sdelay $0x3  }
0x91: {  	v18 =	vld.idx.msk [tilespmem:v18+s4+$0x0], $0xffff  }
0x92: {  	v21 =	vsel vm0, v37, v32;
	v2 =	vor.u32 v8, v2;
	v17 =	vld.idx.msk [tilespmem:v17+s4+$0x0], $0xffff  }
0x93: {  	v54 =	vadd.f32 v34, v27;
	v4 =	vor.u32 v7, v4;
	v56 =	vld.idx.msk [tilespmem:v15+s4+$0x0], $0xffff;
	[tilespmem:s23+$0xFFFFFFE0] =	vst v2  }
0x94: {  	v58 =	vor.u32 v40, v5;
	v3 =	vor.u32 v38, v3;
	v2 =	vld.idx.msk [tilespmem:v16+s4+$0x0], $0xffff;
	[tilespmem:s23+$0xFFFFFFF0] =	vst v4  }
0x95: {  	v1 =	vor.u32 v39, v1;
	v53 =	vor.u32 v21, v42;
	vm11 =	vgt.f32 v9, v20;
	[tilespmem:s23+$0x0] =	vst v58  }
0x96: {  	[tilespmem:s23+$0x10] =	vst v3;
	v55 =	vsel vm11, v33, v30;
	vm12 =	vgt.f32 v26, v54;
	v57 =	vadd.f32 v36, v28  }
0x97: {  	[tilespmem:s23+$0x20] =	vst v1;
	v8 =	vor.u32 v55, v41;
	v59 =	vsel vm12, v34, v27;
	v60 =	vadd.f32 v14, v13  }
0x98: {  	[tilespmem:s22+$0xFFFFFFC0] =	vst v53;
	vm13 =	vgt.f32 v25, v57;
	v5 =	vor.u32 v59, v19;
	v3 =	vadd.f32 v17, v18  }
0x99: {  	[tilespmem:s22+$0xFFFFFFD0] =	vst v8;
	v61 =	vsel vm13, v36, v28;
	vm14 =	vgt.f32 v12, v60;
	v1 =	vadd.f32 v56, v2  }
0x9a: {  	[tilespmem:s22+$0xFFFFFFE0] =	vst v5;
	v4 =	vor.u32 v61, v35;
	vm1 =	vgt.f32 v10, v3;
	v3 =	vsel vm14, v14, v13  }
0x9b: {  	[tilespmem:s22+$0xFFFFFFF0] =	vst v4;
	v62 =	vsel vm1, v17, v18;
	vm15 =	vgt.f32 v11, v1;
	v1 =	vor.u32 v3, v29  }
0x9c: {  	s31 =	sshrl.u32 s24, $0x3;
	v3 =	vand.u32 $0x80000000, v6;
	v2 =	vsel vm15, v56, v2;
	v63 =	vor.u32 v62, v31;
	[tilespmem:s22+$0x0] =	vst v1  }
0x9d: {  	s24 =	simm.s32 $0xA480;
	s23 =	sadd.s32 s2, s31;
	v1 =	vor.u32 v2, v3;
	[tilespmem:s22+$0x10] =	vst v63  }
0x9e: {  	s25 =	simm.s32 $0xA580;
	s26 =	sadd.s32 $0x0, s23;
	[tilespmem:s22+$0x20] =	vst v1;
	s22 =	simm.s32 $0x10  }
.LBB2_9:
0x9f: {  	[hbm4b:s26+s4] =	stream.linear.scatter [tilespmem:s24], [sflag:$0x3], $0x80, $0x38;
	[tilespmem:$0x12480] =	vst v63  }
0xa0: {  	s26 =	smov.u32 s22;
	s24 =	smov.u32 s25;
	p1 =	sne.s32 s22, $0x7F0  }
.Ltmp3:
0xa1: {  	s22 =	sadd.s32 $0x10, s22;
	(pc) =	sbr.rel @p1 .LBB2_9-.Ltmp3, $2  }
0xa2: {  	_ =	sdelay $0x2  }
0xa3: {  	s25 =	sadd.s32 $0x100, s25;
	s26 =	sadd.s32 s26, s23  }
0xa4: {  	p1 =	sne.s32 s19, $0x1F  }
.Ltmp4:
0xa5: {  	_ = 	snop;
	(pc) =	sbr.rel @p1 .LBB2_12-.Ltmp4, $2  }
0xa6: {  	_ =	sdelay $0x2  }
0xa7: {  	[hbm4b:s26+s4] =	stream.linear.scatter [tilespmem:s24], [sflag:$0x3], $0x80, $0x38;
	[tilespmem:$0x12480] =	vst v63  }
.Ltmp5:
0xa8: {  	(pc) =	sbr.rel .LBB2_15-.Ltmp5, $4  }
0xa9: {  	_ = 	snop  }
0xaa: {  	_ =	swait.ge [sflag:s15], $0x4000  }
0xab: {  	[sflag:s15] =	ssyncset.done $0x0  }
0xac: {  	[sflag:s15] =	ssyncadd.s32 $0xFFFFC000  }
.LBB2_12:
0xad: {  	s21 =	sadd.s32 s21, s10  }
0xae: {  	s21 =	sshrl.u32 s21, $0x3  }
0xaf: {  	s22 =	simm.s32 $0x2480;
	s21 =	sadd.s32 s1, s21  }
0xb0: {  	s23 =	simm.s32 $0x10;
	s24 =	simm.s32 $0x2580;
	s25 =	sadd.s32 $0x0, s21  }
.LBB2_13:
0xb1: {  	[tilespmem:s22], [sflag:$0x1] =	stream.linear.gather [hbm4b:s25+s4], $0x80, $0x38;
	[tilespmem:$0x12480] =	vst v63  }
0xb2: {  	s25 =	smov.u32 s23;
	s22 =	smov.u32 s24;
	p1 =	sne.s32 s23, $0x7F0  }
.Ltmp6:
0xb3: {  	s23 =	sadd.s32 $0x10, s23;
	(pc) =	sbr.rel @p1 .LBB2_13-.Ltmp6, $2  }
0xb4: {  	_ =	sdelay $0x2  }
0xb5: {  	s24 =	sadd.s32 $0x100, s24;
	s25 =	sadd.s32 s25, s21  }
.Ltmp7:
0xb6: {  	(pc) =	sbr.rel @p0 .LBB2_16-.Ltmp7, $4  }
0xb7: {  	[tilespmem:s22], [sflag:$0x1] =	stream.linear.gather [hbm4b:s25+s4], $0x80, $0x38;
	[tilespmem:$0x12480] =	vst v63  }
0xb8: {  	_ =	swait.ge [sflag:s15], $0x4000  }
0xb9: {  	[sflag:s15] =	ssyncset.done $0x0  }
0xba: {  	[sflag:s15] =	ssyncadd.s32 $0xFFFFC000  }
.LBB2_15:
0xbb: {  	_ =	swait.ge [sflag:s16], $0x4000  }
0xbc: {  	[sflag:s16] =	ssyncset.done $0x0  }
0xbd: {  	[sflag:s16] =	ssyncadd.s32 $0xFFFFC000  }
.LBB2_16:
0xbe: {  	s21 =	simm.s32 $0x2570  }
0xbf: {  	v1 =	vld [tilespmem:s21+$0x0]  }
0xc0: {  	v2 =	vld [tilespmem:s21+$0xFFFFFFA0]  }
0xc1: {  	v3 =	vld [tilespmem:s21+$0xFFFFFFB0]  }
0xc2: {  	v4 =	vld [tilespmem:s21+$0xFFFFFF90]  }
0xc3: {  	v5 =	vld [tilespmem:s21+$0xFFFFFFC0]  }
0xc4: {  	v6 =	vld [tilespmem:s21+$0xFFFFFFD0]  }
0xc5: {  	v9 =	vld [tilespmem:s21+$0xFFFFFFE0]  }
0xc6: {  	s31 =	simm.s32 $0x2670;
	v15 =	vld [tilespmem:s21+$0xFFFFFFF0]  }
0xc7: {  	v46 =	vld [tilespmem:s31+$0xFFFFFFE0]  }
0xc8: {  	v7 =	vand.u32 $0x7FFFFFFF, v1;
	v8 =	vand.u32 $0x7FFFFFFF, v2  }
0xc9: {  	v12 =	vand.u32 $0x7FFFFFFF, v3;
	v14 =	vand.u32 $0x7FFFFFFF, v4;
	v10 =	vmul.f32 v7, v0  }
0xca: {  	v16 =	vand.u32 $0x7FFFFFFF, v5;
	v19 =	vand.u32 $0x7FFFFFFF, v6;
	v22 =	vand.u32 $0x7FFFFFFF, v9  }
0xcb: {  	v25 =	vand.u32 $0x7FFFFFFF, v15;
	v17 =	vmul.f32 v14, v0;
	v10 =	vmax.f32 v10, $2.328306440e-10  }
0xcc: {  	v1 =	vand.u32 $0x80000000, v1;
	v38 =	vand.u32 $0x7FFFFFFF, v46;
	v10 =	vshrl.u32 v10, $0xF  }
0xcd: {  	v11 =	vmul.f32 v8, v0;
	v17 =	vmax.f32 v17, $2.328306440e-10;
	v21 =	vadd.s32 $0xFFFFA100, v10  }
0xce: {  	v8 =	vadd.f32 v8, v8;
	v17 =	vshrl.u32 v17, $0xF;
	v10 =	vadd.s32 $0xFFFFA101, v10  }
0xcf: {  	v13 =	vmul.f32 v12, v0;
	v11 =	vmax.f32 v11, $2.328306440e-10;
	v24 =	vadd.s32 $0xFFFFA100, v17  }
0xd0: {  	v26 =	vmul.f32 v25, v0;
	v11 =	vshrl.u32 v11, $0xF;
	v17 =	vadd.s32 $0xFFFFA101, v17  }
0xd1: {  	v18 =	vmul.f32 v16, v0;
	v13 =	vmax.f32 v13, $2.328306440e-10;
	v27 =	vadd.s32 $0xFFFFA100, v11  }
0xd2: {  	v26 =	vmax.f32 v26, $2.328306440e-10;
	v13 =	vshrl.u32 v13, $0xF;
	v11 =	vadd.s32 $0xFFFFA101, v11;
	v21 =	vld.idx.msk [tilespmem:v21+s4+$0x0], $0xffff  }
0xd3: {  	v20 =	vmul.f32 v19, v0;
	v26 =	vshrl.u32 v26, $0xF;
	v28 =	vadd.s32 $0xFFFFA100, v13;
	v10 =	vld.idx.msk [tilespmem:v10+s4+$0x0], $0xffff  }
0xd4: {  	v23 =	vmul.f32 v22, v0;
	v7 =	vadd.f32 v7, v7;
	v32 =	vadd.s32 $0xFFFFA100, v26;
	v24 =	vld.idx.msk [tilespmem:v24+s4+$0x0], $0xffff  }
0xd5: {  	v14 =	vadd.f32 v14, v14;
	v18 =	vmax.f32 v18, $2.328306440e-10;
	v26 =	vadd.s32 $0xFFFFA101, v26;
	v17 =	vld.idx.msk [tilespmem:v17+s4+$0x0], $0xffff  }
0xd6: {  	v12 =	vadd.f32 v12, v12;
	v18 =	vshrl.u32 v18, $0xF;
	v13 =	vadd.s32 $0xFFFFA101, v13;
	v27 =	vld.idx.msk [tilespmem:v27+s4+$0x0], $0xffff  }
0xd7: {  	v19 =	vadd.f32 v19, v19;
	v29 =	vadd.s32 $0xFFFFA100, v18;
	v18 =	vadd.s32 $0xFFFFA101, v18;
	v11 =	vld.idx.msk [tilespmem:v11+s4+$0x0], $0xffff  }
0xd8: {  	v35 =	vadd.f32 v25, v25;
	v25 =	vand.u32 $0x80000000, v2;
	v2 =	vand.u32 $0x80000000, v3;
	v28 =	vld.idx.msk [tilespmem:v28+s4+$0x0], $0xffff  }
0xd9: {  	v3 =	vand.u32 $0x80000000, v9;
	v62 =	vmul.f32 v38, v0;
	v20 =	vmax.f32 v20, $2.328306440e-10;
	v48 =	vld.idx.msk [tilespmem:v32+s4+$0x0], $0xffff  }
0xda: {  	v23 =	vmax.f32 v23, $2.328306440e-10;
	v20 =	vshrl.u32 v20, $0xF;
	v51 =	vld.idx.msk [tilespmem:v26+s4+$0x0], $0xffff;
	v33 =	vadd.f32 v10, v21  }
0xdb: {  	v23 =	vshrl.u32 v23, $0xF;
	v30 =	vadd.s32 $0xFFFFA100, v20;
	v20 =	vadd.s32 $0xFFFFA101, v20;
	v13 =	vld.idx.msk [tilespmem:v13+s4+$0x0], $0xffff  }
0xdc: {  	v31 =	vadd.s32 $0xFFFFA100, v23;
	v23 =	vadd.s32 $0xFFFFA101, v23;
	v18 =	vld.idx.msk [tilespmem:v18+s4+$0x0], $0xffff;
	vm0 =	vgt.f32 v7, v33  }
0xdd: {  	v7 =	vadd.f32 v16, v16;
	v16 =	vld.idx.msk [tilespmem:v29+s4+$0x0], $0xffff;
	v33 =	vmax.f32 v62, $2.328306440e-10;
	v10 =	vsel vm0, v10, v21  }
0xde: {  	v34 =	vld [tilespmem:s31+$0x0];
	v21 =	vadd.f32 v22, v22;
	v22 =	vor.u32 v10, v1;
	v1 =	vadd.f32 v17, v24  }
0xdf: {  	v43 =	vld [tilespmem:s31+$0xFFFFFFC0];
	v61 =	vadd.f32 v51, v48;
	v33 =	vshrl.u32 v33, $0xF;
	v10 =	vand.u32 $0x80000000, v4  }
0xe0: {  	v20 =	vld.idx.msk [tilespmem:v20+s4+$0x0], $0xffff;
	v4 =	vand.u32 $0x80000000, v5;
	vm0 =	vgt.f32 v14, v1;
	v14 =	vadd.f32 v11, v27  }
0xe1: {  	v29 =	vld.idx.msk [tilespmem:v30+s4+$0x0], $0xffff;
	v5 =	vand.u32 $0x80000000, v6;
	v1 =	vand.u32 $0x80000000, v15;
	v6 =	vsel vm0, v17, v24  }
0xe2: {  	v45 =	vld [tilespmem:s31+$0xFFFFFFD0];
	v9 =	vadd.f32 v18, v16;
	vm0 =	vgt.f32 v8, v14;
	v8 =	vadd.f32 v13, v28  }
0xe3: {  	v24 =	vld [tilespmem:s31+$0xFFFFFFA0];
	v36 =	vor.u32 v6, v10;
	v10 =	vand.u32 $0x7FFFFFFF, v34;
	v34 =	vand.u32 $0x80000000, v34  }
0xe4: {  	v31 =	vld.idx.msk [tilespmem:v31+s4+$0x0], $0xffff;
	v6 =	vsel vm0, v11, v27;
	v11 =	vmul.f32 v10, v0;
	v27 =	vand.u32 $0x7FFFFFFF, v43  }
0xe5: {  	v23 =	vld.idx.msk [tilespmem:v23+s4+$0x0], $0xffff;
	v10 =	vadd.f32 v10, v10;
	v44 =	vor.u32 v6, v25;
	vm0 =	vgt.f32 v12, v8  }
0xe6: {  	v12 =	vadd.f32 v20, v29;
	v17 =	vmul.f32 v27, v0;
	v8 =	vsel vm0, v13, v28;
	v13 =	vld [tilespmem:s31+$0xFFFFFF90]  }
0xe7: {  	v14 =	vld [tilespmem:s31+$0xFFFFFFB0];
	vm0 =	vgt.f32 v7, v9;
	v11 =	vmax.f32 v11, $2.328306440e-10;
	v28 =	vand.u32 $0x7FFFFFFF, v45  }
0xe8: {  	v9 =	vand.u32 $0x7FFFFFFF, v24;
	v7 =	vsel vm0, v18, v16;
	v11 =	vshrl.u32 v11, $0xF  }
0xe9: {  	v30 =	vmul.f32 v28, v0;
	v17 =	vmax.f32 v17, $2.328306440e-10;
	v18 =	vadd.s32 $0xFFFFA100, v11  }
0xea: {  	vm0 =	vgt.f32 v19, v12;
	v19 =	vadd.f32 v23, v31;
	v12 =	vadd.f32 v28, v28  }
0xeb: {  	v15 =	vmul.f32 v9, v0;
	v9 =	vadd.f32 v9, v9;
	v40 =	vand.u32 $0x7FFFFFFF, v13  }
0xec: {  	v6 =	vld [tilespmem:s31+$0xFFFFFFF0];
	v25 =	vand.u32 $0x7FFFFFFF, v14;
	v11 =	vadd.s32 $0xFFFFA101, v11;
	v41 =	vmul.f32 v40, v0  }
0xed: {  	v17 =	vshrl.u32 v17, $0xF;
	v16 =	vmul.f32 v25, v0;
	v30 =	vmax.f32 v30, $2.328306440e-10  }
0xee: {  	v54 =	vadd.s32 $0xFFFFA100, v17;
	v55 =	vadd.s32 $0xFFFFA101, v17;
	v42 =	vld.idx.msk [tilespmem:v18+s4+$0x0], $0xffff;
	v18 =	vmax.f32 v41, $2.328306440e-10  }
0xef: {  	v17 =	vadd.s32 $0xFFFFA101, v33;
	v26 =	vadd.f32 v25, v25;
	v18 =	vshrl.u32 v18, $0xF  }
0xf0: {  	v25 =	vadd.f32 v27, v27;
	v15 =	vmax.f32 v15, $2.328306440e-10;
	v63 =	vadd.s32 $0xFFFFA100, v18  }
0xf1: {  	v39 =	vand.u32 $0x7FFFFFFF, v6;
	v15 =	vshrl.u32 v15, $0xF;
	v11 =	vld.idx.msk [tilespmem:v11+s4+$0x0], $0xffff;
	v60 =	vadd.s32 $0xFFFFA101, v18  }
0xf2: {  	v30 =	vshrl.u32 v30, $0xF;
	v16 =	vmax.f32 v16, $2.328306440e-10;
	v49 =	vadd.s32 $0xFFFFA100, v15  }
0xf3: {  	v37 =	vmul.f32 v39, v0;
	v16 =	vshrl.u32 v16, $0xF;
	v50 =	vadd.s32 $0xFFFFA101, v15  }
0xf4: {  	v56 =	vadd.s32 $0xFFFFA100, v30;
	v57 =	vadd.s32 $0xFFFFA101, v30;
	v52 =	vadd.s32 $0xFFFFA100, v16;
	v28 =	vld.idx.msk [tilespmem:v54+s4+$0x0], $0xffff  }
0xf5: {  	v62 =	vadd.f32 v40, v40;
	v37 =	vmax.f32 v37, $2.328306440e-10;
	v53 =	vadd.s32 $0xFFFFA101, v16;
	v32 =	vld.idx.msk [tilespmem:v63+s4+$0x0], $0xffff  }
0xf6: {  	v40 =	vsel vm0, v20, v29;
	v47 =	vshrl.u32 v37, $0xF;
	v15 =	vadd.f32 v11, v42;
	v37 =	vld.idx.msk [tilespmem:v60+s4+$0x0], $0xffff  }
0xf7: {  	vm0 =	vgt.f32 v35, v61;
	v35 =	vand.u32 $0x80000000, v43;
	v29 =	vand.u32 $0x80000000, v45;
	v30 =	vld.idx.msk [tilespmem:v49+s4+$0x0], $0xffff  }
0xf8: {  	s22 =	simm.s32 $0xA570;
	v41 =	vand.u32 $0x80000000, v24;
	v18 =	vadd.s32 $0xFFFFA100, v33;
	v33 =	vld.idx.msk [tilespmem:v50+s4+$0x0], $0xffff;
	vm1 =	vgt.f32 v10, v15  }
0xf9: {  	[tilespmem:s22+$0x0] =	vst v22;
	v16 =	vadd.s32 $0xFFFFA100, v47;
	v27 =	vld.idx.msk [tilespmem:v52+s4+$0x0], $0xffff;
	v15 =	vadd.s32 $0xFFFFA101, v47;
	v11 =	vsel vm1, v11, v42  }
0xfa: {  	[tilespmem:s22+$0xFFFFFF90] =	vst v36;
	v10 =	vadd.f32 v38, v38;
	v42 =	vand.u32 $0x80000000, v13;
	v63 =	vor.u32 v11, v34;
	v34 =	vld.idx.msk [tilespmem:v53+s4+$0x0], $0xffff  }
0xfb: {  	[tilespmem:s22+$0xFFFFFFA0] =	vst v44;
	v36 =	vld.idx.msk [tilespmem:v55+s4+$0x0], $0xffff;
	vm1 =	vgt.f32 v21, v19;
	v19 =	vand.u32 $0x80000000, v14;
	v20 =	vadd.f32 v37, v32  }
0xfc: {  	s21 =	simm.s32 $0xA670;
	v13 =	vld.idx.msk [tilespmem:v56+s4+$0x0], $0xffff;
	v11 =	vadd.f32 v39, v39;
	v38 =	vsel vm1, v23, v31;
	v39 =	vsel vm0, v51, v48  }
0xfd: {  	s23 =	simm.s32 $0x8;
	s24 =	simm.s32 $0x2770;
	v14 =	vld.idx.msk [tilespmem:v57+s4+$0x0], $0xffff;
	v31 =	vand.u32 $0x80000000, v46;
	[tilespmem:s21+$0x0] =	vst v63;
	vm0 =	vgt.f32 v62, v20;
	v20 =	vadd.f32 v33, v30  }
.LBB2_17:
0xfe: {  	v24 =	vld [tilespmem:s24+$0x0];
	v21 =	vsel vm0, v37, v32;
	v6 =	vand.u32 $0x80000000, v6;
	v8 =	vor.u32 v8, v2;
	v2 =	vmovc v19  }
0xff: {  	s23 =	sadd.s32 $0x8, s23;
	v19 =	vld [tilespmem:s24+$0xFFFFFFA0];
	v21 =	vor.u32 v21, v42;
	vm0 =	vgt.f32 v9, v20;
	v9 =	vadd.f32 v34, v27;
	[tilespmem:s22+$0xFFFFFFB0] =	vst v8  }
0x100: {  	v4 =	vor.u32 v7, v4;
	v5 =	vor.u32 v40, v5;
	p0 =	slt.u32 s23, $0x3F8;
	v20 =	vld [tilespmem:s24+$0xFFFFFFB0];
	[tilespmem:s21+$0xFFFFFF90] =	vst v21;
	v8 =	vsel vm0, v33, v30  }
0x101: {  	v21 =	vld [tilespmem:s24+$0xFFFFFFC0];
	v7 =	vor.u32 v8, v41;
	vm0 =	vgt.f32 v26, v9;
	v9 =	vadd.f32 v36, v28;
	[tilespmem:s22+$0xFFFFFFC0] =	vst v4  }
0x102: {  	v3 =	vor.u32 v38, v3;
	v26 =	vor.u32 v39, v1;
	v23 =	vld [tilespmem:s24+$0xFFFFFFD0];
	[tilespmem:s21+$0xFFFFFFA0] =	vst v7;
	v8 =	vsel vm0, v34, v27  }
0x103: {  	v1 =	vmovc v6;
	v22 =	vld [tilespmem:s24+$0xFFFFFFE0];
	v27 =	vand.u32 $0x7FFFFFFF, v24;
	vm0 =	vgt.f32 v25, v9;
	v25 =	vadd.f32 v14, v13;
	[tilespmem:s22+$0xFFFFFFD0] =	vst v5  }
0x104: {  	v4 =	vmovc v35;
	v34 =	vand.u32 $0x7FFFFFFF, v19;
	v6 =	vld [tilespmem:s24+$0xFFFFFFF0];
	v30 =	vmul.f32 v27, v0;
	v7 =	vsel vm0, v36, v28;
	[tilespmem:s22+$0xFFFFFFE0] =	vst v3  }
0x105: {  	v5 =	vmovc v29;
	v28 =	vld [tilespmem:s24+$0xFFFFFF90];
	v32 =	vmul.f32 v34, v0;
	v9 =	vadd.f32 v34, v34;
	v33 =	vand.u32 $0x7FFFFFFF, v20;
	[tilespmem:s22+$0xFFFFFFF0] =	vst v26;
	s22 =	smov.u32 s21  }
0x106: {  	v3 =	vmovc v31;
	v26 =	vmul.f32 v33, v0;
	v29 =	vand.u32 $0x7FFFFFFF, v21;
	v30 =	vmax.f32 v30, $2.328306440e-10;
	v35 =	vld.idx.msk [tilespmem:v18+s4+$0x0], $0xffff  }
0x107: {  	v18 =	vmul.f32 v29, v0;
	v31 =	vand.u32 $0x7FFFFFFF, v23;
	v30 =	vshrl.u32 v30, $0xF;
	v36 =	vld.idx.msk [tilespmem:v17+s4+$0x0], $0xffff  }
0x108: {  	v17 =	vmul.f32 v31, v0;
	v34 =	vand.u32 $0x7FFFFFFF, v22;
	v37 =	vadd.s32 $0xFFFFA100, v30;
	v39 =	vld.idx.msk [tilespmem:v16+s4+$0x0], $0xffff  }
0x109: {  	v30 =	vadd.s32 $0xFFFFA101, v30;
	v16 =	vmul.f32 v34, v0;
	v38 =	vand.u32 $0x7FFFFFFF, v6;
	v43 =	vld.idx.msk [tilespmem:v15+s4+$0x0], $0xffff  }
0x10a: {  	v15 =	vmax.f32 v32, $2.328306440e-10;
	v40 =	vand.u32 $0x7FFFFFFF, v28;
	v32 =	vmul.f32 v38, v0  }
0x10b: {  	v26 =	vmax.f32 v26, $2.328306440e-10;
	v18 =	vmax.f32 v18, $2.328306440e-10;
	v41 =	vmul.f32 v40, v0  }
0x10c: {  	v17 =	vmax.f32 v17, $2.328306440e-10;
	v16 =	vmax.f32 v16, $2.328306440e-10;
	v32 =	vmax.f32 v32, $2.328306440e-10  }
0x10d: {  	v26 =	vshrl.u32 v26, $0xF;
	v15 =	vshrl.u32 v15, $0xF;
	v41 =	vmax.f32 v41, $2.328306440e-10;
	v42 =	vld.idx.msk [tilespmem:v37+s4+$0x0], $0xffff  }
0x10e: {  	v18 =	vshrl.u32 v18, $0xF;
	v17 =	vshrl.u32 v17, $0xF;
	v37 =	vshrl.u32 v41, $0xF;
	v41 =	vld.idx.msk [tilespmem:v30+s4+$0x0], $0xffff  }
0x10f: {  	v16 =	vshrl.u32 v16, $0xF;
	v44 =	vshrl.u32 v32, $0xF;
	v30 =	vadd.s32 $0xFFFFA100, v37  }
0x110: {  	v45 =	vadd.s32 $0xFFFFA100, v15;
	v46 =	vadd.s32 $0xFFFFA101, v15;
	v37 =	vadd.s32 $0xFFFFA101, v37  }
0x111: {  	v47 =	vadd.s32 $0xFFFFA100, v26;
	v48 =	vadd.s32 $0xFFFFA101, v26;
	v49 =	vadd.s32 $0xFFFFA100, v18  }
0x112: {  	v50 =	vadd.s32 $0xFFFFA101, v18;
	v51 =	vadd.s32 $0xFFFFA100, v17;
	v52 =	vadd.s32 $0xFFFFA101, v17  }
0x113: {  	v18 =	vadd.s32 $0xFFFFA100, v16;
	v17 =	vadd.s32 $0xFFFFA101, v16;
	v16 =	vadd.s32 $0xFFFFA100, v44  }
0x114: {  	v27 =	vadd.f32 v27, v27;
	v15 =	vadd.s32 $0xFFFFA101, v44;
	v44 =	vadd.f32 v41, v42;
	v32 =	vld.idx.msk [tilespmem:v30+s4+$0x0], $0xffff  }
0x115: {  	vm0 =	vgt.f32 v12, v25;
	v53 =	vadd.f32 v36, v35;
	v54 =	vadd.f32 v43, v39;
	v37 =	vld.idx.msk [tilespmem:v37+s4+$0x0], $0xffff  }
0x116: {  	v26 =	vadd.f32 v33, v33;
	v55 =	vadd.f32 v40, v40;
	vm1 =	vgt.f32 v27, v44;
	v30 =	vld.idx.msk [tilespmem:v45+s4+$0x0], $0xffff  }
0x117: {  	v24 =	vand.u32 $0x80000000, v24;
	v25 =	vadd.f32 v29, v29;
	v29 =	vsel vm1, v41, v42;
	v33 =	vld.idx.msk [tilespmem:v46+s4+$0x0], $0xffff  }
0x118: {  	s21 =	sadd.s32 $0x100, s21;
	v12 =	vadd.f32 v31, v31;
	v31 =	vadd.f32 v34, v34;
	v24 =	vor.u32 v29, v24;
	v27 =	vld.idx.msk [tilespmem:v47+s4+$0x0], $0xffff  }
.Ltmp8:
0x119: {  	v44 =	vadd.f32 v38, v38;
	v42 =	vand.u32 $0x80000000, v28;
	vm1 =	vgt.f32 v10, v53;
	v34 =	vld.idx.msk [tilespmem:v48+s4+$0x0], $0xffff;
	[tilespmem:s21+$0x0] =	vst v24;
	(pc) =	sbr.rel @p0 .LBB2_17-.Ltmp8, $4  }
0x11a: {  	v40 =	vsel vm0, v14, v13;
	vm0 =	vgt.f32 v11, v54;
	v38 =	vsel vm1, v36, v35;
	v28 =	vld.idx.msk [tilespmem:v49+s4+$0x0], $0xffff  }
0x11b: {  	v39 =	vsel vm0, v43, v39;
	v41 =	vand.u32 $0x80000000, v19;
	v10 =	vmovc v31;
	v14 =	vadd.f32 v37, v32;
	v36 =	vld.idx.msk [tilespmem:v50+s4+$0x0], $0xffff  }
0x11c: {  	v19 =	vand.u32 $0x80000000, v20;
	v35 =	vand.u32 $0x80000000, v21;
	v29 =	vand.u32 $0x80000000, v23;
	v11 =	vmovc v44;
	v13 =	vld.idx.msk [tilespmem:v51+s4+$0x0], $0xffff  }
0x11d: {  	s24 =	sadd.s32 $0x100, s24;
	v31 =	vand.u32 $0x80000000, v22;
	vm0 =	vgt.f32 v55, v14;
	v20 =	vadd.f32 v33, v30;
	v14 =	vld.idx.msk [tilespmem:v52+s4+$0x0], $0xffff  }
0x11e: {  	_ =	sdelay $0x3  }
0x11f: {  	v18 =	vld.idx.msk [tilespmem:v18+s4+$0x0], $0xffff  }
0x120: {  	v21 =	vsel vm0, v37, v32;
	v2 =	vor.u32 v8, v2;
	v17 =	vld.idx.msk [tilespmem:v17+s4+$0x0], $0xffff  }
0x121: {  	v54 =	vadd.f32 v34, v27;
	v4 =	vor.u32 v7, v4;
	v56 =	vld.idx.msk [tilespmem:v15+s4+$0x0], $0xffff;
	[tilespmem:s22+$0xFFFFFFB0] =	vst v2  }
0x122: {  	v58 =	vor.u32 v40, v5;
	v3 =	vor.u32 v38, v3;
	v2 =	vld.idx.msk [tilespmem:v16+s4+$0x0], $0xffff;
	[tilespmem:s22+$0xFFFFFFC0] =	vst v4  }
0x123: {  	v1 =	vor.u32 v39, v1;
	v53 =	vor.u32 v21, v42;
	vm11 =	vgt.f32 v9, v20;
	[tilespmem:s22+$0xFFFFFFD0] =	vst v58  }
0x124: {  	[tilespmem:s22+$0xFFFFFFE0] =	vst v3;
	v55 =	vsel vm11, v33, v30;
	vm12 =	vgt.f32 v26, v54;
	v57 =	vadd.f32 v36, v28  }
0x125: {  	[tilespmem:s22+$0xFFFFFFF0] =	vst v1;
	v8 =	vor.u32 v55, v41;
	v59 =	vsel vm12, v34, v27;
	v60 =	vadd.f32 v14, v13  }
0x126: {  	[tilespmem:s21+$0xFFFFFF90] =	vst v53;
	vm13 =	vgt.f32 v25, v57;
	v5 =	vor.u32 v59, v19;
	v3 =	vadd.f32 v17, v18  }
0x127: {  	[tilespmem:s21+$0xFFFFFFA0] =	vst v8;
	v61 =	vsel vm13, v36, v28;
	vm14 =	vgt.f32 v12, v60;
	v1 =	vadd.f32 v56, v2  }
0x128: {  	[tilespmem:s21+$0xFFFFFFB0] =	vst v5;
	v4 =	vor.u32 v61, v35;
	vm1 =	vgt.f32 v10, v3;
	v3 =	vsel vm14, v14, v13  }
0x129: {  	[tilespmem:s21+$0xFFFFFFC0] =	vst v4;
	v62 =	vsel vm1, v17, v18;
	vm15 =	vgt.f32 v11, v1;
	v1 =	vor.u32 v3, v29  }
0x12a: {  	v3 =	vand.u32 $0x80000000, v6;
	v2 =	vsel vm15, v56, v2;
	v63 =	vor.u32 v62, v31;
	[tilespmem:s21+$0xFFFFFFD0] =	vst v1  }
0x12b: {  	s20 =	sadd.s32 s2, s20;
	s23 =	simm.s32 $0xA600;
	v1 =	vor.u32 v2, v3;
	[tilespmem:s21+$0xFFFFFFE0] =	vst v63  }
0x12c: {  	s22 =	simm.s32 $0xA500;
	s24 =	sadd.s32 $0x0, s20;
	[tilespmem:s21+$0xFFFFFFF0] =	vst v1;
	s21 =	simm.s32 $0x10  }
.LBB2_19:
0x12d: {  	[hbm4b:s24+s4] =	stream.linear.scatter [tilespmem:s22], [sflag:$0x4], $0x80, $0x38;
	[tilespmem:$0x12480] =	vst v63  }
0x12e: {  	s24 =	smov.u32 s21;
	s22 =	smov.u32 s23;
	p0 =	sne.s32 s21, $0x7F0  }
.Ltmp9:
0x12f: {  	s21 =	sadd.s32 $0x10, s21;
	(pc) =	sbr.rel @p0 .LBB2_19-.Ltmp9, $2  }
0x130: {  	_ =	sdelay $0x2  }
0x131: {  	s23 =	sadd.s32 $0x100, s23;
	s24 =	sadd.s32 s24, s20  }
0x132: {  	s19 =	sadd.s32 $0x1, s19  }
0x133: {  	p0 =	sne.s32 s19, $0x20  }
.Ltmp10:
0x134: {  	_ = 	snop;
	(pc) =	sbr.rel @p0 .LBB2_4-.Ltmp10, $2  }
0x135: {  	_ =	sdelay $0x2  }
0x136: {  	[hbm4b:s24+s4] =	stream.linear.scatter [tilespmem:s22], [sflag:$0x4], $0x80, $0x38;
	[tilespmem:$0x12480] =	vst v63  }
0x137: {  	s18 =	sadd.s32 $0x1, s18  }
0x138: {  	_ =	swait.ge [sflag:s17], $0x4000;
	p0 =	sne.s32 s18, s11  }
.Ltmp11:
0x139: {  	[sflag:s17] =	ssyncset.done $0x0;
	(pc) =	sbr.rel @p0 .LBB2_1-.Ltmp11, $4  }
0x13a: {  	[sflag:s17] =	ssyncadd.s32 $0xFFFFC000  }
0x13b: {  	_ =	swait.ge [sflag:s16], $0x4000  }
0x13c: {  	[sflag:s16] =	ssyncset.done $0x0  }
0x13d: {  	[sflag:s16] =	ssyncadd.s32 $0xFFFFC000  }
0x13e: {  	_ =	sfence.sel $0x180000  }
0x13f: {  	[bflag:$0x0] =	sbarrier.arrive $0xFFFF  }
0x140: {  	p0 =	sne.s32 s3, $0x0;
	_ =	strace $0x90000047  }
0x141: {  	s0 =	sadd.s32 @!p0 $0x100000, s0;
	[bflag:$0x2] =	sbarrier.arrive $0xFFFF  }
0x142: {  	[sflag:s0] =	ssyncadd.tile.s32 @!p0 $0x1;
	_ =	shalt  }
.Lfunc_end2:
_tile_overlayer_lowered:
.L_overlay_start_2:
0x143: {  	(tag) =	ssettag $0x2  }
0x144: {  	s0 =	rddreg [dreg:$0x0];
	s2 =	stileid.u32  }
0x145: {  	s1 =	rddreg [dreg:$0x1];
	p0 =	sne.s32 s2, $0x0  }
0x146: {  	s3 =	rddreg [dreg:$0x2];
	[bflag:$0x3] =	sbarrier.arrive $0xFFFF;
	s2 =	simm.s32 @!p0 $0x1C05  }
0x147: {  	[timem:s3], [sflag:s2] =	dma.local @!p0 [hbm:s0], s1  }
0x148: {  	s0 =	simm.s32 @!p0 $0x5  }
0x149: {  	_ =	swait.ge @!p0 [sflag:s0], s1  }
0x14a: {  	s1 =	ssub.s32 @!p0 $0x0, s1;
	[sflag:s0] =	ssyncset.done @!p0 $0x0  }
0x14b: {  	[sflag:s0] =	ssyncadd.s32 @!p0 s1  }
0x14c: {  	[bflag:$0x3] =	sbarrier.arrive $0xFFFF  }
0x14d: {  	_ =	shalt  }

</sc_bundles>
